<compile_context>
chip_gen: v7x
topology: tpu7x:2x2x1
jax: 0.10.2.dev20260603
libtpu: 0.0.44.dev20260713+nightly
codegen_flags: <defaults>
</compile_context>

<pallas_src>
import functools

import jax
import jax.numpy as jnp
from jax import lax
from jax.experimental import pallas as pl
from jax.experimental.pallas import tpu as pltpu
from jax.experimental.pallas import tpu_sc as plsc

N = 10000
E = 320000
C = 128
NC = 2
NS = 16
NW = NC * NS
EPT = E // NW
K = 80
NCHUNK = EPT // K
ACC_N = 10240
RPT = ACC_N // NS

_MESH = plsc.VectorSubcoreMesh(
    core_axis_name="c", subcore_axis_name="s", num_cores=NC, num_subcores=NS
)


@functools.partial(
    pl.kernel,
    out_type=jax.ShapeDtypeStruct((NW * N,), jnp.float32),
    mesh=_MESH,
    scratch_types=[
        pltpu.VMEM((EPT,), jnp.int32),
        pltpu.VMEM((N,), jnp.float32),
    ],
    compiler_params=pltpu.CompilerParams(needs_layout_passes=False),
)
def _deg_kernel(dst_hbm, zeros_hbm, out_hbm, dstbuf, deg):
    wid = lax.axis_index("c") * NS + lax.axis_index("s")
    pltpu.sync_copy(dst_hbm.at[pl.ds(wid * EPT, EPT)], dstbuf)
    pltpu.sync_copy(zeros_hbm, deg)
    ones = jnp.ones((16,), jnp.float32)

    def body(i, _):
        for u in range(5):
            idx = dstbuf[pl.ds(i * 80 + u * 16, 16)]
            plsc.addupdate_scatter(deg, [idx], ones)
        return 0

    lax.fori_loop(0, EPT // 80, body, 0)
    pltpu.sync_copy(deg, out_hbm.at[pl.ds(wid * N, N)])


def _scale_body(parts_ref, x_ref, x2_ref, dinv_ref):
    parts = parts_ref[...]
    ones = jnp.ones((NW, 1), jnp.float32)
    deg = lax.dot_general(parts, ones, (((1,), (0,)), ((), ())),
                          preferred_element_type=jnp.float32)
    dinv = lax.rsqrt(deg + 1.0)
    x2_ref[...] = x_ref[...] * dinv
    dinv_ref[...] = dinv


def _scale_call(parts_t, x):
    BR = 2000
    return pl.pallas_call(
        _scale_body,
        grid=(N // BR,),
        in_specs=[
            pl.BlockSpec((BR, NW), lambda i: (i, 0)),
            pl.BlockSpec((BR, C), lambda i: (i, 0)),
        ],
        out_specs=[
            pl.BlockSpec((BR, C), lambda i: (i, 0)),
            pl.BlockSpec((BR, 1), lambda i: (i, 0)),
        ],
        out_shape=[
            jax.ShapeDtypeStruct((N, C), jnp.float32),
            jax.ShapeDtypeStruct((N, 1), jnp.float32),
        ],
    )(parts_t, x)


@functools.partial(
    pl.kernel,
    out_type=jax.ShapeDtypeStruct((NC * ACC_N, C), jnp.float32),
    mesh=_MESH,
    scratch_types=[
        pltpu.VMEM((EPT,), jnp.int32),
        pltpu.VMEM((NCHUNK, K), jnp.int32),
        pltpu.VMEM((K, C), jnp.float32),
        pltpu.VMEM((K, C), jnp.float32),
        pltpu.VMEM_SHARED((ACC_N, C), jnp.float32),
        pltpu.SemaphoreType.DMA,
        pltpu.SemaphoreType.DMA,
        pltpu.SemaphoreType.DMA,
        pltpu.SemaphoreType.DMA,
    ],
    compiler_params=pltpu.CompilerParams(needs_layout_passes=False),
)
def _agg_kernel(src_hbm, dst_hbm, x2_hbm, zeros_hbm, out_hbm,
                srcbuf, dstbuf, rows0, rows1, acc, sem0, sem1, ssem0, ssem1):
    c = lax.axis_index("c")
    s = lax.axis_index("s")
    wid = c * NS + s
    pltpu.sync_copy(src_hbm.at[pl.ds(wid * EPT, EPT)], srcbuf)
    pltpu.sync_copy(dst_hbm.at[wid], dstbuf)
    pltpu.sync_copy(zeros_hbm, acc.at[pl.ds(s * RPT, RPT)])
    plsc.subcore_barrier()

    def g_start(i, buf, sem):
        pltpu.async_copy(x2_hbm.at[srcbuf.at[pl.ds(i * K, K)]], buf, sem)

    def g_wait(i, buf, sem):
        pltpu.make_async_copy(
            x2_hbm.at[srcbuf.at[pl.ds(i * K, K)]], buf, sem).wait()

    def s_start(i, buf, sem):
        pltpu.async_copy(buf, acc.at[dstbuf.at[i]], sem, add=True)

    def s_wait(i, buf, sem):
        pltpu.make_async_copy(buf, acc.at[dstbuf.at[i]], sem).wait()

    g_start(0, rows0, sem0)
    g_start(1, rows1, sem1)

    def body(g, _):
        i0 = 2 * g
        i1 = i0 + 1
        g_wait(i0, rows0, sem0)
        s_start(i0, rows0, ssem0)
        g_wait(i1, rows1, sem1)
        s_start(i1, rows1, ssem1)
        s_wait(i0, rows0, ssem0)
        g_start(i0 + 2, rows0, sem0)
        s_wait(i1, rows1, ssem1)

        @pl.when(g < (NCHUNK - 3) // 2)
        def _():
            g_start(i1 + 2, rows1, sem1)

        return 0

    lax.fori_loop(0, (NCHUNK - 1) // 2, body, 0)
    last = NCHUNK - 1
    g_wait(last, rows0, sem0)
    pltpu.sync_copy(rows0, acc.at[dstbuf.at[last]], add=True)
    plsc.subcore_barrier()
    pltpu.sync_copy(acc.at[pl.ds(s * RPT, RPT)],
                    out_hbm.at[pl.ds(c * ACC_N + s * RPT, RPT)])


def _combine_body(parts_ref, x2_ref, dinv_ref, wt_ref, b_ref, out_ref):
    acc = parts_ref[0] + parts_ref[1] + x2_ref[...]
    pre = acc * dinv_ref[...]
    h = jnp.dot(pre, wt_ref[...], preferred_element_type=jnp.float32)
    o = h + b_ref[...]
    out_ref[...] = jnp.where(o >= 0, o, 0.01 * o) + 1.0


def _combine_call(parts2, x2, dinv, wt, b2):
    BR = 2000
    return pl.pallas_call(
        _combine_body,
        grid=(N // BR,),
        in_specs=[
            pl.BlockSpec((NC, BR, C), lambda i: (0, i, 0)),
            pl.BlockSpec((BR, C), lambda i: (i, 0)),
            pl.BlockSpec((BR, 1), lambda i: (i, 0)),
            pl.BlockSpec((C, C), lambda i: (0, 0)),
            pl.BlockSpec((1, C), lambda i: (0, 0)),
        ],
        out_specs=pl.BlockSpec((BR, C), lambda i: (i, 0)),
        out_shape=jax.ShapeDtypeStruct((N, C), jnp.float32),
    )(parts2, x2, dinv, wt, b2)


def kernel(x, edge_index, W, b):
    src = edge_index[0].astype(jnp.int32)
    dst = edge_index[1].astype(jnp.int32)
    zeros2d = jnp.zeros((RPT, C), jnp.float32)
    zeros1d = jnp.zeros((N,), jnp.float32)

    deg_parts = _deg_kernel(dst, zeros1d).reshape(NW, N)
    x2, dinv = _scale_call(deg_parts.T, x)
    parts = _agg_kernel(src, dst.reshape(NW, NCHUNK, K), x2, zeros2d)
    parts2 = parts.reshape(NC, ACC_N, C)
    out = _combine_call(parts2, x2, dinv, W.T, b.reshape(1, C))
    return out

# --- scband reference (transcript-rebuilt; emitter-appended) ---
"""Pipeline reference for scband-simple-gcn-5214090297469 (READ-ONLY COPY).

The authoritative reference and input builder live on the scoring server;
editing this copy changes nothing except your own understanding.
"""

import jax, jax.numpy as jnp
import numpy as np

N_NODES = 10000
N_EDGES = 320000
IN_CH = 128
OUT_CH = 128


def setup_inputs(seed: int = 0) -> dict:
    key = jax.random.key(seed)
    k1, k2, k3, k4 = jax.random.split(key, 4)
    x = jax.random.normal(k1, (N_NODES, IN_CH), dtype=jnp.float32)
    edge_index = jax.random.randint(k2, (2, N_EDGES), 0, N_NODES, dtype=jnp.int64)
    # GCNConv params: linear weight (glorot) with no bias; separate bias added post-aggregation
    limit = float(np.sqrt(6.0 / (IN_CH + OUT_CH)))
    W = jax.random.uniform(k3, (OUT_CH, IN_CH), dtype=jnp.float32, minval=-limit, maxval=limit)
    b = jnp.zeros((OUT_CH,), dtype=jnp.float32)
    return {"x": x, "edge_index": edge_index, "W": W, "b": b}


def reference(x, edge_index, W, b):
    N = x.shape[0]
    src = edge_index[0]
    dst = edge_index[1]
    # add self loops (PyG GCNConv default add_self_loops=True)
    loop = jnp.arange(N, dtype=edge_index.dtype)
    src = jnp.concatenate([src, loop], axis=0)
    dst = jnp.concatenate([dst, loop], axis=0)
    # symmetric normalization: deg computed on destination (col) with unit edge weights
    ones = jnp.ones(src.shape[0], dtype=x.dtype)
    deg = jnp.zeros((N,), dtype=x.dtype).at[dst].add(ones)
    deg_inv_sqrt = jnp.where(deg > 0, jax.lax.rsqrt(jnp.maximum(deg, 1e-12)), 0.0)
    norm = deg_inv_sqrt[src] * deg_inv_sqrt[dst]
    # linear transform then message passing (gather from src, scatter-add to dst)
    h = x @ W.T
    msg = jnp.take(h, src, axis=0) * norm[:, None]
    out = jnp.zeros((N, h.shape[1]), dtype=x.dtype).at[dst].add(msg)
    out = out + b
    # F.leaky_relu_(x) + 1 with default negative_slope=0.01
    out = jnp.where(out >= 0, out, 0.01 * out) + 1.0
    return out

if __name__ == "__main__":
    import jax
    _d = setup_inputs()
    print(jax.jit(kernel)(*tuple(_d.values())))

</pallas_src>

<mosaic_0001>
#map = affine_map<(d0, d1) -> (0)>
#map1 = affine_map<(d0, d1) -> (0, 0, 0)>
#map2 = affine_map<(d0, d1) -> (0, 0)>
module attributes {stable_mosaic.version = 14 : i64} {
  func.func @_agg_kernel(%arg0: i32, %arg1: i32, %arg2: memref<320000xi32, #tpu.memory_space<hbm>>, %arg3: memref<32x125x80xi32, #tpu.memory_space<hbm>>, %arg4: memref<10000x128xf32, #tpu.memory_space<hbm>>, %arg5: memref<640x128xf32, #tpu.memory_space<hbm>>, %arg6: memref<20480x128xf32, #tpu.memory_space<hbm>>, %arg7: memref<10000xi32, #tpu.memory_space<vmem>>, %arg8: memref<125x80xi32, #tpu.memory_space<vmem>>, %arg9: memref<80x128xf32, #tpu.memory_space<vmem>>, %arg10: memref<80x128xf32, #tpu.memory_space<vmem>>, %arg11: memref<10240x128xf32, #tpu.memory_space<vmem_shared>>, %arg12: memref<!tpu.dma_semaphore, #tpu.memory_space<semaphore_mem>>, %arg13: memref<!tpu.dma_semaphore, #tpu.memory_space<semaphore_mem>>, %arg14: memref<!tpu.dma_semaphore, #tpu.memory_space<semaphore_mem>>, %arg15: memref<!tpu.dma_semaphore, #tpu.memory_space<semaphore_mem>>) attributes {dimension_semantics = [#tpu.dimension_semantics<core_parallel>, #tpu.dimension_semantics<subcore_parallel>], iteration_bounds = array<i64: 2, 16>, scalar_prefetch = 0 : i64, scratch_operands = 9 : i64, tpu.core_type = #tpu.core_type<sc_vector_subcore>, window_params = [{transform_indices = #map}, {transform_indices = #map1}, {transform_indices = #map2}, {transform_indices = #map2}, {transform_indices = #map2}]} {
    %mul3A = arith.constant 16 : i32
    %mul3A_0 = arith.muli %arg0, %mul3A : i32
    %add3A = arith.addi %mul3A_0, %arg1 : i32
    %mul3A_1 = arith.constant 10000 : i32
    %mul3A_2 = arith.muli %add3A, %mul3A_1 : i32
    "tpu.region"() ({
      %run_scoped3A_32 = tpu.sem_alloc : memref<!tpu.dma_semaphore, #tpu.memory_space<semaphore_mem>>
      %dma_start3A_33 = tpu.memref_slice %arg2[%mul3A_2] : memref<320000xi32, #tpu.memory_space<hbm>> -> memref<10000xi32, #tpu.memory_space<hbm>>
      %dma_start3A_34 = tpu.memref_slice %arg2[%mul3A_2] : memref<320000xi32, #tpu.memory_space<hbm>> -> memref<10000xi32, #tpu.memory_space<hbm>>
      tpu.enqueue_dma source(%dma_start3A_34 : memref<10000xi32, #tpu.memory_space<hbm>>) target(%arg7 : memref<10000xi32, #tpu.memory_space<vmem>>) target_semaphore(%run_scoped3A_32 : memref<!tpu.dma_semaphore, #tpu.memory_space<semaphore_mem>>)
      %dma_wait3A_35 = tpu.memref_slice %arg2[%mul3A_2] : memref<320000xi32, #tpu.memory_space<hbm>> -> memref<10000xi32, #tpu.memory_space<hbm>>
      %dma_wait3A_36 = tpu.memref_slice %arg2[%mul3A_2] : memref<320000xi32, #tpu.memory_space<hbm>> -> memref<10000xi32, #tpu.memory_space<hbm>>
      tpu.wait_dma2 semaphore(%run_scoped3A_32 : memref<!tpu.dma_semaphore, #tpu.memory_space<semaphore_mem>>) src(%dma_wait3A_36 : memref<10000xi32, #tpu.memory_space<hbm>>) dst(%arg7 : memref<10000xi32, #tpu.memory_space<vmem>>)
      tpu.yield
    }) : () -> ()
    "tpu.region"() ({
      %run_scoped3A_32 = tpu.sem_alloc : memref<!tpu.dma_semaphore, #tpu.memory_space<semaphore_mem>>
      %dma_start3A_33 = arith.constant 0 : i32
      %dma_start3A_34 = arith.constant 0 : i32
      %dma_start3A_35 = tpu.memref_slice %arg3[%add3A, %dma_start3A_33, %dma_start3A_34] : memref<32x125x80xi32, #tpu.memory_space<hbm>> -> memref<1x125x80xi32, #tpu.memory_space<hbm>>
      %dma_start3A_36 = tpu.memref_squeeze %dma_start3A_35 : memref<1x125x80xi32, #tpu.memory_space<hbm>> -> memref<125x80xi32, #tpu.memory_space<hbm>>
      %dma_start3A_37 = arith.constant 0 : i32
      %dma_start3A_38 = arith.constant 0 : i32
      %dma_start3A_39 = tpu.memref_slice %arg3[%add3A, %dma_start3A_37, %dma_start3A_38] : memref<32x125x80xi32, #tpu.memory_space<hbm>> -> memref<1x125x80xi32, #tpu.memory_space<hbm>>
      %dma_start3A_40 = tpu.memref_squeeze %dma_start3A_39 : memref<1x125x80xi32, #tpu.memory_space<hbm>> -> memref<125x80xi32, #tpu.memory_space<hbm>>
      tpu.enqueue_dma source(%dma_start3A_40 : memref<125x80xi32, #tpu.memory_space<hbm>>) target(%arg8 : memref<125x80xi32, #tpu.memory_space<vmem>>) target_semaphore(%run_scoped3A_32 : memref<!tpu.dma_semaphore, #tpu.memory_space<semaphore_mem>>)
      %dma_wait3A_41 = arith.constant 0 : i32
      %dma_wait3A_42 = arith.constant 0 : i32
      %dma_wait3A_43 = tpu.memref_slice %arg3[%add3A, %dma_wait3A_41, %dma_wait3A_42] : memref<32x125x80xi32, #tpu.memory_space<hbm>> -> memref<1x125x80xi32, #tpu.memory_space<hbm>>
      %dma_wait3A_44 = tpu.memref_squeeze %dma_wait3A_43 : memref<1x125x80xi32, #tpu.memory_space<hbm>> -> memref<125x80xi32, #tpu.memory_space<hbm>>
      %dma_wait3A_45 = arith.constant 0 : i32
      %dma_wait3A_46 = arith.constant 0 : i32
      %dma_wait3A_47 = tpu.memref_slice %arg3[%add3A, %dma_wait3A_45, %dma_wait3A_46] : memref<32x125x80xi32, #tpu.memory_space<hbm>> -> memref<1x125x80xi32, #tpu.memory_space<hbm>>
      %dma_wait3A_48 = tpu.memref_squeeze %dma_wait3A_47 : memref<1x125x80xi32, #tpu.memory_space<hbm>> -> memref<125x80xi32, #tpu.memory_space<hbm>>
      tpu.wait_dma2 semaphore(%run_scoped3A_32 : memref<!tpu.dma_semaphore, #tpu.memory_space<semaphore_mem>>) src(%dma_wait3A_48 : memref<125x80xi32, #tpu.memory_space<hbm>>) dst(%arg8 : memref<125x80xi32, #tpu.memory_space<vmem>>)
      tpu.yield
    }) : () -> ()
    %mul3A_3 = arith.constant 640 : i32
    %mul3A_4 = arith.muli %arg1, %mul3A_3 : i32
    "tpu.region"() ({
      %run_scoped3A_32 = tpu.sem_alloc : memref<!tpu.dma_semaphore, #tpu.memory_space<semaphore_mem>>
      %dma_start3A_33 = arith.constant 0 : i32
      %dma_start3A_34 = tpu.memref_slice %arg11[%mul3A_4, %dma_start3A_33] : memref<10240x128xf32, #tpu.memory_space<vmem_shared>> -> memref<640x128xf32, #tpu.memory_space<vmem_shared>>
      tpu.enqueue_dma source(%arg5 : memref<640x128xf32, #tpu.memory_space<hbm>>) target(%dma_start3A_34 : memref<640x128xf32, #tpu.memory_space<vmem_shared>>) target_semaphore(%run_scoped3A_32 : memref<!tpu.dma_semaphore, #tpu.memory_space<semaphore_mem>>)
      %dma_wait3A_35 = arith.constant 0 : i32
      %dma_wait3A_36 = tpu.memref_slice %arg11[%mul3A_4, %dma_wait3A_35] : memref<10240x128xf32, #tpu.memory_space<vmem_shared>> -> memref<640x128xf32, #tpu.memory_space<vmem_shared>>
      tpu.wait_dma2 semaphore(%run_scoped3A_32 : memref<!tpu.dma_semaphore, #tpu.memory_space<semaphore_mem>>) src(%arg5 : memref<640x128xf32, #tpu.memory_space<hbm>>) dst(%dma_wait3A_36 : memref<640x128xf32, #tpu.memory_space<vmem_shared>>)
      tpu.yield
    }) : () -> ()
    %barrier3A = arith.constant 0 : index
    tpu.barrier barrier_id(%barrier3A)
    %dma_start3A = arith.constant 0 : i32
    %dma_start3A_5 = tpu.memref_slice %arg7[%dma_start3A] : memref<10000xi32, #tpu.memory_space<vmem>> -> memref<80xi32, #tpu.memory_space<vmem>>
    %dma_start3A_6 = arith.constant 0 : i32
    %dma_start3A_7 = arith.constant 0 : i32
    %dma_start3A_8 = tpu.memref_slice %arg4[%dma_start3A_6, %dma_start3A_7] : memref<10000x128xf32, #tpu.memory_space<hbm>> -> memref<10000x128xf32, #tpu.memory_space<hbm>>
    tpu.enqueue_indirect_dma source(%dma_start3A_8 : memref<10000x128xf32, #tpu.memory_space<hbm>>) target(%arg9 : memref<80x128xf32, #tpu.memory_space<vmem>>) offsets(%dma_start3A_5 : memref<80xi32, #tpu.memory_space<vmem>>) semaphore(%arg12 : memref<!tpu.dma_semaphore, #tpu.memory_space<semaphore_mem>>)
    %dma_start3A_9 = arith.constant 80 : i32
    %dma_start3A_10 = tpu.memref_slice %arg7[%dma_start3A_9] : memref<10000xi32, #tpu.memory_space<vmem>> -> memref<80xi32, #tpu.memory_space<vmem>>
    %dma_start3A_11 = arith.constant 0 : i32
    %dma_start3A_12 = arith.constant 0 : i32
    %dma_start3A_13 = tpu.memref_slice %arg4[%dma_start3A_11, %dma_start3A_12] : memref<10000x128xf32, #tpu.memory_space<hbm>> -> memref<10000x128xf32, #tpu.memory_space<hbm>>
    tpu.enqueue_indirect_dma source(%dma_start3A_13 : memref<10000x128xf32, #tpu.memory_space<hbm>>) target(%arg10 : memref<80x128xf32, #tpu.memory_space<vmem>>) offsets(%dma_start3A_10 : memref<80xi32, #tpu.memory_space<vmem>>) semaphore(%arg13 : memref<!tpu.dma_semaphore, #tpu.memory_space<semaphore_mem>>)
    %scan3A = arith.constant 0 : i32
    %scan3A_14 = arith.constant 0 : i32
    %scan3A_15 = arith.constant 62 : i32
    %scan3A_16 = arith.addi %scan3A_14, %scan3A_15 : i32
    %scan3A_17 = arith.constant 1 : i32
    %scan3A_18 = scf.for %scan3A_32 = %scan3A_14 to %scan3A_16 step %scan3A_17 iter_args(%scan3A_33 = %scan3A) -> (i32)  : i32 {
      %mul3A_34 = arith.constant 2 : i32
      %mul3A_35 = arith.muli %mul3A_34, %scan3A_32 : i32
      %add3A_36 = arith.constant 1 : i32
      %add3A_37 = arith.addi %mul3A_35, %add3A_36 : i32
      %mul3A_38 = arith.constant 80 : i32
      %mul3A_39 = arith.muli %mul3A_35, %mul3A_38 : i32
      %dma_wait3A_40 = tpu.memref_slice %arg7[%mul3A_39] : memref<10000xi32, #tpu.memory_space<vmem>> -> memref<80xi32, #tpu.memory_space<vmem>>
      %dma_wait3A_41 = arith.constant 0 : i32
      %dma_wait3A_42 = arith.constant 0 : i32
      %dma_wait3A_43 = tpu.memref_slice %arg4[%dma_wait3A_41, %dma_wait3A_42] : memref<10000x128xf32, #tpu.memory_space<hbm>> -> memref<10000x128xf32, #tpu.memory_space<hbm>>
      tpu.wait_indirect_dma semaphore(%arg12 : memref<!tpu.dma_semaphore, #tpu.memory_space<semaphore_mem>>) src(%dma_wait3A_43 : memref<10000x128xf32, #tpu.memory_space<hbm>>) dst(%arg9 : memref<80x128xf32, #tpu.memory_space<vmem>>)
      %dma_start3A_44 = arith.constant 0 : i32
      %dma_start3A_45 = tpu.memref_slice %arg8[%mul3A_35, %dma_start3A_44] : memref<125x80xi32, #tpu.memory_space<vmem>> -> memref<1x80xi32, #tpu.memory_space<vmem>>
      %dma_start3A_46 = tpu.memref_squeeze %dma_start3A_45 : memref<1x80xi32, #tpu.memory_space<vmem>> -> memref<80xi32, #tpu.memory_space<vmem>>
      %dma_start3A_47 = arith.constant 0 : i32
      %dma_start3A_48 = arith.constant 0 : i32
      %dma_start3A_49 = tpu.memref_slice %arg11[%dma_start3A_47, %dma_start3A_48] : memref<10240x128xf32, #tpu.memory_space<vmem_shared>> -> memref<10240x128xf32, #tpu.memory_space<vmem_shared>>
      tpu.enqueue_indirect_dma source(%arg9 : memref<80x128xf32, #tpu.memory_space<vmem>>) target(%dma_start3A_49 : memref<10240x128xf32, #tpu.memory_space<vmem_shared>>) offsets(%dma_start3A_46 : memref<80xi32, #tpu.memory_space<vmem>>) semaphore(%arg14 : memref<!tpu.dma_semaphore, #tpu.memory_space<semaphore_mem>>) {add = true}
      %mul3A_50 = arith.constant 80 : i32
      %mul3A_51 = arith.muli %add3A_37, %mul3A_50 : i32
      %dma_wait3A_52 = tpu.memref_slice %arg7[%mul3A_51] : memref<10000xi32, #tpu.memory_space<vmem>> -> memref<80xi32, #tpu.memory_space<vmem>>
      %dma_wait3A_53 = arith.constant 0 : i32
      %dma_wait3A_54 = arith.constant 0 : i32
      %dma_wait3A_55 = tpu.memref_slice %arg4[%dma_wait3A_53, %dma_wait3A_54] : memref<10000x128xf32, #tpu.memory_space<hbm>> -> memref<10000x128xf32, #tpu.memory_space<hbm>>
      tpu.wait_indirect_dma semaphore(%arg13 : memref<!tpu.dma_semaphore, #tpu.memory_space<semaphore_mem>>) src(%dma_wait3A_55 : memref<10000x128xf32, #tpu.memory_space<hbm>>) dst(%arg10 : memref<80x128xf32, #tpu.memory_space<vmem>>)
      %dma_start3A_56 = arith.constant 0 : i32
      %dma_start3A_57 = tpu.memref_slice %arg8[%add3A_37, %dma_start3A_56] : memref<125x80xi32, #tpu.memory_space<vmem>> -> memref<1x80xi32, #tpu.memory_space<vmem>>
      %dma_start3A_58 = tpu.memref_squeeze %dma_start3A_57 : memref<1x80xi32, #tpu.memory_space<vmem>> -> memref<80xi32, #tpu.memory_space<vmem>>
      %dma_start3A_59 = arith.constant 0 : i32
      %dma_start3A_60 = arith.constant 0 : i32
      %dma_start3A_61 = tpu.memref_slice %arg11[%dma_start3A_59, %dma_start3A_60] : memref<10240x128xf32, #tpu.memory_space<vmem_shared>> -> memref<10240x128xf32, #tpu.memory_space<vmem_shared>>
      tpu.enqueue_indirect_dma source(%arg10 : memref<80x128xf32, #tpu.memory_space<vmem>>) target(%dma_start3A_61 : memref<10240x128xf32, #tpu.memory_space<vmem_shared>>) offsets(%dma_start3A_58 : memref<80xi32, #tpu.memory_space<vmem>>) semaphore(%arg15 : memref<!tpu.dma_semaphore, #tpu.memory_space<semaphore_mem>>) {add = true}
      %dma_wait3A_62 = arith.constant 0 : i32
      %dma_wait3A_63 = tpu.memref_slice %arg8[%mul3A_35, %dma_wait3A_62] : memref<125x80xi32, #tpu.memory_space<vmem>> -> memref<1x80xi32, #tpu.memory_space<vmem>>
      %dma_wait3A_64 = tpu.memref_squeeze %dma_wait3A_63 : memref<1x80xi32, #tpu.memory_space<vmem>> -> memref<80xi32, #tpu.memory_space<vmem>>
      %dma_wait3A_65 = arith.constant 0 : i32
      %dma_wait3A_66 = arith.constant 0 : i32
      %dma_wait3A_67 = tpu.memref_slice %arg11[%dma_wait3A_65, %dma_wait3A_66] : memref<10240x128xf32, #tpu.memory_space<vmem_shared>> -> memref<10240x128xf32, #tpu.memory_space<vmem_shared>>
      tpu.wait_indirect_dma semaphore(%arg14 : memref<!tpu.dma_semaphore, #tpu.memory_space<semaphore_mem>>) src(%arg9 : memref<80x128xf32, #tpu.memory_space<vmem>>) dst(%dma_wait3A_67 : memref<10240x128xf32, #tpu.memory_space<vmem_shared>>)
      %add3A_68 = arith.constant 2 : i32
      %add3A_69 = arith.addi %mul3A_35, %add3A_68 : i32
      %mul3A_70 = arith.constant 80 : i32
      %mul3A_71 = arith.muli %add3A_69, %mul3A_70 : i32
      %dma_start3A_72 = tpu.memref_slice %arg7[%mul3A_71] : memref<10000xi32, #tpu.memory_space<vmem>> -> memref<80xi32, #tpu.memory_space<vmem>>
      %dma_start3A_73 = arith.constant 0 : i32
      %dma_start3A_74 = arith.constant 0 : i32
      %dma_start3A_75 = tpu.memref_slice %arg4[%dma_start3A_73, %dma_start3A_74] : memref<10000x128xf32, #tpu.memory_space<hbm>> -> memref<10000x128xf32, #tpu.memory_space<hbm>>
      tpu.enqueue_indirect_dma source(%dma_start3A_75 : memref<10000x128xf32, #tpu.memory_space<hbm>>) target(%arg9 : memref<80x128xf32, #tpu.memory_space<vmem>>) offsets(%dma_start3A_72 : memref<80xi32, #tpu.memory_space<vmem>>) semaphore(%arg12 : memref<!tpu.dma_semaphore, #tpu.memory_space<semaphore_mem>>)
      %dma_wait3A_76 = arith.constant 0 : i32
      %dma_wait3A_77 = tpu.memref_slice %arg8[%add3A_37, %dma_wait3A_76] : memref<125x80xi32, #tpu.memory_space<vmem>> -> memref<1x80xi32, #tpu.memory_space<vmem>>
      %dma_wait3A_78 = tpu.memref_squeeze %dma_wait3A_77 : memref<1x80xi32, #tpu.memory_space<vmem>> -> memref<80xi32, #tpu.memory_space<vmem>>
      %dma_wait3A_79 = arith.constant 0 : i32
      %dma_wait3A_80 = arith.constant 0 : i32
      %dma_wait3A_81 = tpu.memref_slice %arg11[%dma_wait3A_79, %dma_wait3A_80] : memref<10240x128xf32, #tpu.memory_space<vmem_shared>> -> memref<10240x128xf32, #tpu.memory_space<vmem_shared>>
      tpu.wait_indirect_dma semaphore(%arg15 : memref<!tpu.dma_semaphore, #tpu.memory_space<semaphore_mem>>) src(%arg10 : memref<80x128xf32, #tpu.memory_space<vmem>>) dst(%dma_wait3A_81 : memref<10240x128xf32, #tpu.memory_space<vmem_shared>>)
      %lt3A = arith.constant 61 : i32
      %lt3A_82 = arith.cmpi slt, %scan3A_32, %lt3A : i32
      %convert_element_type3A = arith.extui %lt3A_82 : i1 to i32
      %cond3A = arith.constant 0 : i32
      %cond3A_83 = arith.cmpi ne, %convert_element_type3A, %cond3A : i32
      scf.if %cond3A_83 {
        %add3A_85 = arith.constant 2 : i32
        %add3A_86 = arith.addi %add3A_37, %add3A_85 : i32
        %mul3A_87 = arith.constant 80 : i32
        %mul3A_88 = arith.muli %add3A_86, %mul3A_87 : i32
        %dma_start3A_89 = tpu.memref_slice %arg7[%mul3A_88] : memref<10000xi32, #tpu.memory_space<vmem>> -> memref<80xi32, #tpu.memory_space<vmem>>
        %dma_start3A_90 = arith.constant 0 : i32
        %dma_start3A_91 = arith.constant 0 : i32
        %dma_start3A_92 = tpu.memref_slice %arg4[%dma_start3A_90, %dma_start3A_91] : memref<10000x128xf32, #tpu.memory_space<hbm>> -> memref<10000x128xf32, #tpu.memory_space<hbm>>
        tpu.enqueue_indirect_dma source(%dma_start3A_92 : memref<10000x128xf32, #tpu.memory_space<hbm>>) target(%arg10 : memref<80x128xf32, #tpu.memory_space<vmem>>) offsets(%dma_start3A_89 : memref<80xi32, #tpu.memory_space<vmem>>) semaphore(%arg13 : memref<!tpu.dma_semaphore, #tpu.memory_space<semaphore_mem>>)
      } else {
      }
      %scan3A_84 = arith.constant 0 : i32
      scf.yield %scan3A_84 : i32
    }
    %scan3A_19 = arith.constant 62 : i32
    %dma_wait3A = arith.constant 9920 : i32
    %dma_wait3A_20 = tpu.memref_slice %arg7[%dma_wait3A] : memref<10000xi32, #tpu.memory_space<vmem>> -> memref<80xi32, #tpu.memory_space<vmem>>
    %dma_wait3A_21 = arith.constant 0 : i32
    %dma_wait3A_22 = arith.constant 0 : i32
    %dma_wait3A_23 = tpu.memref_slice %arg4[%dma_wait3A_21, %dma_wait3A_22] : memref<10000x128xf32, #tpu.memory_space<hbm>> -> memref<10000x128xf32, #tpu.memory_space<hbm>>
    tpu.wait_indirect_dma semaphore(%arg12 : memref<!tpu.dma_semaphore, #tpu.memory_space<semaphore_mem>>) src(%dma_wait3A_23 : memref<10000x128xf32, #tpu.memory_space<hbm>>) dst(%arg9 : memref<80x128xf32, #tpu.memory_space<vmem>>)
    %run_scoped3A = arith.constant 124 : i32
    "tpu.region"() ({
      %run_scoped3A_32 = tpu.sem_alloc : memref<!tpu.dma_semaphore, #tpu.memory_space<semaphore_mem>>
      %dma_start3A_33 = arith.constant 0 : i32
      %dma_start3A_34 = tpu.memref_slice %arg8[%run_scoped3A, %dma_start3A_33] : memref<125x80xi32, #tpu.memory_space<vmem>> -> memref<1x80xi32, #tpu.memory_space<vmem>>
      %dma_start3A_35 = tpu.memref_squeeze %dma_start3A_34 : memref<1x80xi32, #tpu.memory_space<vmem>> -> memref<80xi32, #tpu.memory_space<vmem>>
      %dma_start3A_36 = arith.constant 0 : i32
      %dma_start3A_37 = arith.constant 0 : i32
      %dma_start3A_38 = tpu.memref_slice %arg11[%dma_start3A_36, %dma_start3A_37] : memref<10240x128xf32, #tpu.memory_space<vmem_shared>> -> memref<10240x128xf32, #tpu.memory_space<vmem_shared>>
      tpu.enqueue_indirect_dma source(%arg9 : memref<80x128xf32, #tpu.memory_space<vmem>>) target(%dma_start3A_38 : memref<10240x128xf32, #tpu.memory_space<vmem_shared>>) offsets(%dma_start3A_35 : memref<80xi32, #tpu.memory_space<vmem>>) semaphore(%run_scoped3A_32 : memref<!tpu.dma_semaphore, #tpu.memory_space<semaphore_mem>>) {add = true}
      %dma_wait3A_39 = arith.constant 0 : i32
      %dma_wait3A_40 = tpu.memref_slice %arg8[%run_scoped3A, %dma_wait3A_39] : memref<125x80xi32, #tpu.memory_space<vmem>> -> memref<1x80xi32, #tpu.memory_space<vmem>>
      %dma_wait3A_41 = tpu.memref_squeeze %dma_wait3A_40 : memref<1x80xi32, #tpu.memory_space<vmem>> -> memref<80xi32, #tpu.memory_space<vmem>>
      %dma_wait3A_42 = arith.constant 0 : i32
      %dma_wait3A_43 = arith.constant 0 : i32
      %dma_wait3A_44 = tpu.memref_slice %arg11[%dma_wait3A_42, %dma_wait3A_43] : memref<10240x128xf32, #tpu.memory_space<vmem_shared>> -> memref<10240x128xf32, #tpu.memory_space<vmem_shared>>
      tpu.wait_indirect_dma semaphore(%run_scoped3A_32 : memref<!tpu.dma_semaphore, #tpu.memory_space<semaphore_mem>>) src(%arg9 : memref<80x128xf32, #tpu.memory_space<vmem>>) dst(%dma_wait3A_44 : memref<10240x128xf32, #tpu.memory_space<vmem_shared>>)
      tpu.yield
    }) : () -> ()
    %barrier3A_24 = arith.constant 0 : index
    tpu.barrier barrier_id(%barrier3A_24)
    %mul3A_25 = arith.constant 640 : i32
    %mul3A_26 = arith.muli %arg1, %mul3A_25 : i32
    %mul3A_27 = arith.constant 10240 : i32
    %mul3A_28 = arith.muli %arg0, %mul3A_27 : i32
    %mul3A_29 = arith.constant 640 : i32
    %mul3A_30 = arith.muli %arg1, %mul3A_29 : i32
    %add3A_31 = arith.addi %mul3A_28, %mul3A_30 : i32
    "tpu.region"() ({
      %run_scoped3A_32 = tpu.sem_alloc : memref<!tpu.dma_semaphore, #tpu.memory_space<semaphore_mem>>
      %dma_start3A_33 = arith.constant 0 : i32
      %dma_start3A_34 = tpu.memref_slice %arg6[%add3A_31, %dma_start3A_33] : memref<20480x128xf32, #tpu.memory_space<hbm>> -> memref<640x128xf32, #tpu.memory_space<hbm>>
      %dma_start3A_35 = arith.constant 0 : i32
      %dma_start3A_36 = tpu.memref_slice %arg11[%mul3A_26, %dma_start3A_35] : memref<10240x128xf32, #tpu.memory_space<vmem_shared>> -> memref<640x128xf32, #tpu.memory_space<vmem_shared>>
      tpu.enqueue_dma source(%dma_start3A_36 : memref<640x128xf32, #tpu.memory_space<vmem_shared>>) target(%dma_start3A_34 : memref<640x128xf32, #tpu.memory_space<hbm>>) target_semaphore(%run_scoped3A_32 : memref<!tpu.dma_semaphore, #tpu.memory_space<semaphore_mem>>)
      %dma_wait3A_37 = arith.constant 0 : i32
      %dma_wait3A_38 = tpu.memref_slice %arg6[%add3A_31, %dma_wait3A_37] : memref<20480x128xf32, #tpu.memory_space<hbm>> -> memref<640x128xf32, #tpu.memory_space<hbm>>
      %dma_wait3A_39 = arith.constant 0 : i32
      %dma_wait3A_40 = tpu.memref_slice %arg11[%mul3A_26, %dma_wait3A_39] : memref<10240x128xf32, #tpu.memory_space<vmem_shared>> -> memref<640x128xf32, #tpu.memory_space<vmem_shared>>
      tpu.wait_dma2 semaphore(%run_scoped3A_32 : memref<!tpu.dma_semaphore, #tpu.memory_space<semaphore_mem>>) src(%dma_wait3A_40 : memref<640x128xf32, #tpu.memory_space<vmem_shared>>) dst(%dma_wait3A_38 : memref<640x128xf32, #tpu.memory_space<hbm>>)
      tpu.yield
    }) : () -> ()
    return
  }
}

#map = affine_map<(d0, d1) -> (0)>
module attributes {stable_mosaic.version = 14 : i64} {
  func.func @_deg_kernel(%arg0: i32, %arg1: i32, %arg2: memref<320000xi32, #tpu.memory_space<hbm>>, %arg3: memref<10000xf32, #tpu.memory_space<hbm>>, %arg4: memref<320000xf32, #tpu.memory_space<hbm>>, %arg5: memref<10000xi32, #tpu.memory_space<vmem>>, %arg6: memref<10000xf32, #tpu.memory_space<vmem>>) attributes {dimension_semantics = [#tpu.dimension_semantics<core_parallel>, #tpu.dimension_semantics<subcore_parallel>], iteration_bounds = array<i64: 2, 16>, scalar_prefetch = 0 : i64, scratch_operands = 2 : i64, tpu.core_type = #tpu.core_type<sc_vector_subcore>, window_params = [{transform_indices = #map}, {transform_indices = #map}, {transform_indices = #map}]} {
    %mul3A = arith.constant 16 : i32
    %mul3A_0 = arith.muli %arg0, %mul3A : i32
    %add3A = arith.addi %mul3A_0, %arg1 : i32
    %mul3A_1 = arith.constant 10000 : i32
    %mul3A_2 = arith.muli %add3A, %mul3A_1 : i32
    "tpu.region"() ({
      %run_scoped3A = tpu.sem_alloc : memref<!tpu.dma_semaphore, #tpu.memory_space<semaphore_mem>>
      %dma_start3A = tpu.memref_slice %arg2[%mul3A_2] : memref<320000xi32, #tpu.memory_space<hbm>> -> memref<10000xi32, #tpu.memory_space<hbm>>
      %dma_start3A_12 = tpu.memref_slice %arg2[%mul3A_2] : memref<320000xi32, #tpu.memory_space<hbm>> -> memref<10000xi32, #tpu.memory_space<hbm>>
      tpu.enqueue_dma source(%dma_start3A_12 : memref<10000xi32, #tpu.memory_space<hbm>>) target(%arg5 : memref<10000xi32, #tpu.memory_space<vmem>>) target_semaphore(%run_scoped3A : memref<!tpu.dma_semaphore, #tpu.memory_space<semaphore_mem>>)
      %dma_wait3A = tpu.memref_slice %arg2[%mul3A_2] : memref<320000xi32, #tpu.memory_space<hbm>> -> memref<10000xi32, #tpu.memory_space<hbm>>
      %dma_wait3A_13 = tpu.memref_slice %arg2[%mul3A_2] : memref<320000xi32, #tpu.memory_space<hbm>> -> memref<10000xi32, #tpu.memory_space<hbm>>
      tpu.wait_dma2 semaphore(%run_scoped3A : memref<!tpu.dma_semaphore, #tpu.memory_space<semaphore_mem>>) src(%dma_wait3A_13 : memref<10000xi32, #tpu.memory_space<hbm>>) dst(%arg5 : memref<10000xi32, #tpu.memory_space<vmem>>)
      tpu.yield
    }) : () -> ()
    "tpu.region"() ({
      %run_scoped3A = tpu.sem_alloc : memref<!tpu.dma_semaphore, #tpu.memory_space<semaphore_mem>>
      tpu.enqueue_dma source(%arg3 : memref<10000xf32, #tpu.memory_space<hbm>>) target(%arg6 : memref<10000xf32, #tpu.memory_space<vmem>>) target_semaphore(%run_scoped3A : memref<!tpu.dma_semaphore, #tpu.memory_space<semaphore_mem>>)
      tpu.wait_dma2 semaphore(%run_scoped3A : memref<!tpu.dma_semaphore, #tpu.memory_space<semaphore_mem>>) src(%arg3 : memref<10000xf32, #tpu.memory_space<hbm>>) dst(%arg6 : memref<10000xf32, #tpu.memory_space<vmem>>)
      tpu.yield
    }) : () -> ()
    %broadcast_in_dim3A = arith.constant 1.000000e+00 : f32
    %broadcast_in_dim3A_3 = vector.broadcast %broadcast_in_dim3A : f32 to vector<16xf32>
    %scan3A = arith.constant 0 : i32
    %scan3A_4 = arith.constant 0 : i32
    %scan3A_5 = arith.constant 125 : i32
    %scan3A_6 = arith.addi %scan3A_4, %scan3A_5 : i32
    %scan3A_7 = arith.constant 1 : i32
    %scan3A_8 = scf.for %scan3A_12 = %scan3A_4 to %scan3A_6 step %scan3A_7 iter_args(%scan3A_13 = %scan3A) -> (i32)  : i32 {
      %mul3A_14 = arith.constant 80 : i32
      %mul3A_15 = arith.muli %scan3A_12, %mul3A_14 : i32
      %add3A_16 = arith.constant 0 : i32
      %add3A_17 = arith.addi %mul3A_15, %add3A_16 : i32
      %get3A = arith.index_cast %add3A_17 : i32 to index
      %get3A_18 = tpu.vector_load %arg5[%get3A] {strides = array<i32>} : memref<10000xi32, #tpu.memory_space<vmem>>, vector<16xi32>,
      tpu.vector_store_idx %arg6[%get3A_18], %broadcast_in_dim3A_3 {add = true} : memref<10000xf32, #tpu.memory_space<vmem>>[vector<16xi32>], vector<16xf32>,
      %mul3A_19 = arith.constant 80 : i32
      %mul3A_20 = arith.muli %scan3A_12, %mul3A_19 : i32
      %add3A_21 = arith.constant 16 : i32
      %add3A_22 = arith.addi %mul3A_20, %add3A_21 : i32
      %get3A_23 = arith.index_cast %add3A_22 : i32 to index
      %get3A_24 = tpu.vector_load %arg5[%get3A_23] {strides = array<i32>} : memref<10000xi32, #tpu.memory_space<vmem>>, vector<16xi32>,
      tpu.vector_store_idx %arg6[%get3A_24], %broadcast_in_dim3A_3 {add = true} : memref<10000xf32, #tpu.memory_space<vmem>>[vector<16xi32>], vector<16xf32>,
      %mul3A_25 = arith.constant 80 : i32
      %mul3A_26 = arith.muli %scan3A_12, %mul3A_25 : i32
      %add3A_27 = arith.constant 32 : i32
      %add3A_28 = arith.addi %mul3A_26, %add3A_27 : i32
      %get3A_29 = arith.index_cast %add3A_28 : i32 to index
      %get3A_30 = tpu.vector_load %arg5[%get3A_29] {strides = array<i32>} : memref<10000xi32, #tpu.memory_space<vmem>>, vector<16xi32>,
      tpu.vector_store_idx %arg6[%get3A_30], %broadcast_in_dim3A_3 {add = true} : memref<10000xf32, #tpu.memory_space<vmem>>[vector<16xi32>], vector<16xf32>,
      %mul3A_31 = arith.constant 80 : i32
      %mul3A_32 = arith.muli %scan3A_12, %mul3A_31 : i32
      %add3A_33 = arith.constant 48 : i32
      %add3A_34 = arith.addi %mul3A_32, %add3A_33 : i32
      %get3A_35 = arith.index_cast %add3A_34 : i32 to index
      %get3A_36 = tpu.vector_load %arg5[%get3A_35] {strides = array<i32>} : memref<10000xi32, #tpu.memory_space<vmem>>, vector<16xi32>,
      tpu.vector_store_idx %arg6[%get3A_36], %broadcast_in_dim3A_3 {add = true} : memref<10000xf32, #tpu.memory_space<vmem>>[vector<16xi32>], vector<16xf32>,
      %mul3A_37 = arith.constant 80 : i32
      %mul3A_38 = arith.muli %scan3A_12, %mul3A_37 : i32
      %add3A_39 = arith.constant 64 : i32
      %add3A_40 = arith.addi %mul3A_38, %add3A_39 : i32
      %get3A_41 = arith.index_cast %add3A_40 : i32 to index
      %get3A_42 = tpu.vector_load %arg5[%get3A_41] {strides = array<i32>} : memref<10000xi32, #tpu.memory_space<vmem>>, vector<16xi32>,
      tpu.vector_store_idx %arg6[%get3A_42], %broadcast_in_dim3A_3 {add = true} : memref<10000xf32, #tpu.memory_space<vmem>>[vector<16xi32>], vector<16xf32>,
      %scan3A_43 = arith.constant 0 : i32
      scf.yield %scan3A_43 : i32
    }
    %scan3A_9 = arith.constant 125 : i32
    %mul3A_10 = arith.constant 10000 : i32
    %mul3A_11 = arith.muli %add3A, %mul3A_10 : i32
    "tpu.region"() ({
      %run_scoped3A = tpu.sem_alloc : memref<!tpu.dma_semaphore, #tpu.memory_space<semaphore_mem>>
      %dma_start3A = tpu.memref_slice %arg4[%mul3A_11] : memref<320000xf32, #tpu.memory_space<hbm>> -> memref<10000xf32, #tpu.memory_space<hbm>>
      %dma_start3A_12 = tpu.memref_slice %arg4[%mul3A_11] : memref<320000xf32, #tpu.memory_space<hbm>> -> memref<10000xf32, #tpu.memory_space<hbm>>
      tpu.enqueue_dma source(%arg6 : memref<10000xf32, #tpu.memory_space<vmem>>) target(%dma_start3A_12 : memref<10000xf32, #tpu.memory_space<hbm>>) target_semaphore(%run_scoped3A : memref<!tpu.dma_semaphore, #tpu.memory_space<semaphore_mem>>)
      %dma_wait3A = tpu.memref_slice %arg4[%mul3A_11] : memref<320000xf32, #tpu.memory_space<hbm>> -> memref<10000xf32, #tpu.memory_space<hbm>>
      %dma_wait3A_13 = tpu.memref_slice %arg4[%mul3A_11] : memref<320000xf32, #tpu.memory_space<hbm>> -> memref<10000xf32, #tpu.memory_space<hbm>>
      tpu.wait_dma2 semaphore(%run_scoped3A : memref<!tpu.dma_semaphore, #tpu.memory_space<semaphore_mem>>) src(%arg6 : memref<10000xf32, #tpu.memory_space<vmem>>) dst(%dma_wait3A_13 : memref<10000xf32, #tpu.memory_space<hbm>>)
      tpu.yield
    }) : () -> ()
    return
  }
}

module attributes {stable_mosaic.version = 14 : i64} {
  func.func @_scale_body(%arg0: i32, %arg1: memref<2000x32xf32, #tpu.memory_space<vmem>>, %arg2: memref<2000x128xf32, #tpu.memory_space<vmem>>, %arg3: memref<2000x128xf32, #tpu.memory_space<vmem>>, %arg4: memref<2000x1xf32, #tpu.memory_space<vmem>>) attributes {dimension_semantics = [#tpu.dimension_semantics<arbitrary>], iteration_bounds = array<i64: 5>, scalar_prefetch = 0 : i64, scratch_operands = 0 : i64, tpu.core_type = #tpu.core_type<tc>, window_params = [{transform_indices = @transform_0, window_bounds = array<i64: 2000, 32>}, {transform_indices = @transform_1, window_bounds = array<i64: 2000, 128>}, {transform_indices = @transform_2, window_bounds = array<i64: 2000, 128>}, {transform_indices = @transform_3, window_bounds = array<i64: 2000, 1>}]} {
    %get3A = arith.constant 0 : index
    %get3A_0 = arith.constant 0 : index
    %get3A_1 = vector.load %arg1[%get3A, %get3A_0] : memref<2000x32xf32, #tpu.memory_space<vmem>>, vector<2000x32xf32>
    %broadcast_in_dim3A = arith.constant 1.000000e+00 : f32
    %broadcast_in_dim3A_2 = vector.broadcast %broadcast_in_dim3A : f32 to vector<32x1xf32>
    %dot_general3A = arith.constant dense<0.000000e+00> : vector<2000x1xf32>
    %dot_general3A_3 = tpu.matmul %get3A_1, %broadcast_in_dim3A_2, %dot_general3A {dimension_numbers = #tpu.dot_dimension_numbers<[1], [0], [0], [1], [0, 0, 1, 1], [], []>, transpose_lhs_hint = false} : vector<2000x32xf32>, vector<32x1xf32>, vector<2000x1xf32> -> vector<2000x1xf32>
    %add3A = arith.constant 1.000000e+00 : f32
    %add3A_4 = vector.broadcast %add3A : f32 to vector<2000x1xf32>
    %add3A_5 = arith.addf %dot_general3A_3, %add3A_4 : vector<2000x1xf32>
    %rsqrt3A = math.rsqrt %add3A_5 : vector<2000x1xf32>
    %get3A_6 = arith.constant 0 : index
    %get3A_7 = arith.constant 0 : index
    %get3A_8 = vector.load %arg2[%get3A_6, %get3A_7] : memref<2000x128xf32, #tpu.memory_space<vmem>>, vector<2000x128xf32>
    %mul3A = vector.broadcast %rsqrt3A : vector<2000x1xf32> to vector<2000x128xf32>
    %mul3A_9 = arith.mulf %get3A_8, %mul3A : vector<2000x128xf32>
    %swap3A = arith.constant 0 : index
    %swap3A_10 = arith.constant 0 : index
    %swap3A_11 = vector.load %arg3[%swap3A, %swap3A_10] : memref<2000x128xf32, #tpu.memory_space<vmem>>, vector<2000x128xf32>
    tpu.vector_store %arg3[%swap3A, %swap3A_10], %mul3A_9 {strides = array<i32>} : memref<2000x128xf32, #tpu.memory_space<vmem>>, vector<2000x128xf32>,
    %swap3A_12 = arith.constant 0 : index
    %swap3A_13 = arith.constant 0 : index
    %swap3A_14 = vector.load %arg4[%swap3A_12, %swap3A_13] : memref<2000x1xf32, #tpu.memory_space<vmem>>, vector<2000x1xf32>
    tpu.vector_store %arg4[%swap3A_12, %swap3A_13], %rsqrt3A {strides = array<i32>} : memref<2000x1xf32, #tpu.memory_space<vmem>>, vector<2000x1xf32>,
    return
  }
  func.func @transform_0(%arg0: i32) -> (i32, i32) {
    %c0_i32 = arith.constant 0 : i32
    %c0_i32_0 = arith.constant 0 : i32
    return %arg0, %c0_i32 : i32, i32
  }
  func.func @transform_1(%arg0: i32) -> (i32, i32) {
    %c0_i32 = arith.constant 0 : i32
    %c0_i32_0 = arith.constant 0 : i32
    return %arg0, %c0_i32 : i32, i32
  }
  func.func @transform_2(%arg0: i32) -> (i32, i32) {
    %c0_i32 = arith.constant 0 : i32
    %c0_i32_0 = arith.constant 0 : i32
    return %arg0, %c0_i32 : i32, i32
  }
  func.func @transform_3(%arg0: i32) -> (i32, i32) {
    %c0_i32 = arith.constant 0 : i32
    %c0_i32_0 = arith.constant 0 : i32
    return %arg0, %c0_i32 : i32, i32
  }
}

module attributes {stable_mosaic.version = 14 : i64} {
  func.func @_combine_body(%arg0: i32, %arg1: memref<2x2000x128xf32, #tpu.memory_space<vmem>>, %arg2: memref<2000x128xf32, #tpu.memory_space<vmem>>, %arg3: memref<2000x1xf32, #tpu.memory_space<vmem>>, %arg4: memref<128x128xf32, #tpu.memory_space<vmem>>, %arg5: memref<1x128xf32, #tpu.memory_space<vmem>>, %arg6: memref<2000x128xf32, #tpu.memory_space<vmem>>) attributes {dimension_semantics = [#tpu.dimension_semantics<arbitrary>], iteration_bounds = array<i64: 5>, scalar_prefetch = 0 : i64, scratch_operands = 0 : i64, tpu.core_type = #tpu.core_type<tc>, window_params = [{transform_indices = @transform_0, window_bounds = array<i64: 2, 2000, 128>}, {transform_indices = @transform_1, window_bounds = array<i64: 2000, 128>}, {transform_indices = @transform_2, window_bounds = array<i64: 2000, 1>}, {pipeline_mode = #tpu.pipeline_mode<synchronous>, transform_indices = @transform_3, window_bounds = array<i64: 128, 128>}, {pipeline_mode = #tpu.pipeline_mode<synchronous>, transform_indices = @transform_4, window_bounds = array<i64: 1, 128>}, {transform_indices = @transform_5, window_bounds = array<i64: 2000, 128>}]} {
    %get3A = arith.constant 0 : index
    %get3A_0 = arith.constant 0 : index
    %get3A_1 = arith.constant 0 : index
    %get3A_2 = vector.load %arg1[%get3A, %get3A_0, %get3A_1] : memref<2x2000x128xf32, #tpu.memory_space<vmem>>, vector<1x2000x128xf32>
    %get3A_3 = vector.shape_cast %get3A_2 : vector<1x2000x128xf32> to vector<2000x128xf32>
    %get3A_4 = arith.constant 1 : index
    %get3A_5 = arith.constant 0 : index
    %get3A_6 = arith.constant 0 : index
    %get3A_7 = vector.load %arg1[%get3A_4, %get3A_5, %get3A_6] : memref<2x2000x128xf32, #tpu.memory_space<vmem>>, vector<1x2000x128xf32>
    %get3A_8 = vector.shape_cast %get3A_7 : vector<1x2000x128xf32> to vector<2000x128xf32>
    %add3A = arith.addf %get3A_3, %get3A_8 : vector<2000x128xf32>
    %get3A_9 = arith.constant 0 : index
    %get3A_10 = arith.constant 0 : index
    %get3A_11 = vector.load %arg2[%get3A_9, %get3A_10] : memref<2000x128xf32, #tpu.memory_space<vmem>>, vector<2000x128xf32>
    %add3A_12 = arith.addf %add3A, %get3A_11 : vector<2000x128xf32>
    %get3A_13 = arith.constant 0 : index
    %get3A_14 = arith.constant 0 : index
    %get3A_15 = vector.load %arg3[%get3A_13, %get3A_14] : memref<2000x1xf32, #tpu.memory_space<vmem>>, vector<2000x1xf32>
    %mul3A = vector.broadcast %get3A_15 : vector<2000x1xf32> to vector<2000x128xf32>
    %mul3A_16 = arith.mulf %add3A_12, %mul3A : vector<2000x128xf32>
    %get3A_17 = arith.constant 0 : index
    %get3A_18 = arith.constant 0 : index
    %get3A_19 = vector.load %arg4[%get3A_17, %get3A_18] : memref<128x128xf32, #tpu.memory_space<vmem>>, vector<128x128xf32>
    %dot_general3A = arith.constant dense<0.000000e+00> : vector<2000x128xf32>
    %dot_general3A_20 = tpu.matmul %mul3A_16, %get3A_19, %dot_general3A {dimension_numbers = #tpu.dot_dimension_numbers<[1], [0], [0], [1], [0, 0, 1, 1], [], []>, transpose_lhs_hint = false} : vector<2000x128xf32>, vector<128x128xf32>, vector<2000x128xf32> -> vector<2000x128xf32>
    %get3A_21 = arith.constant 0 : index
    %get3A_22 = arith.constant 0 : index
    %get3A_23 = vector.load %arg5[%get3A_21, %get3A_22] : memref<1x128xf32, #tpu.memory_space<vmem>>, vector<1x128xf32>
    %add3A_24 = vector.broadcast %get3A_23 : vector<1x128xf32> to vector<2000x128xf32>
    %add3A_25 = arith.addf %dot_general3A_20, %add3A_24 : vector<2000x128xf32>
    %ge3A = arith.constant 0.000000e+00 : f32
    %ge3A_26 = vector.broadcast %ge3A : f32 to vector<2000x128xf32>
    %ge3A_27 = arith.cmpf oge, %add3A_25, %ge3A_26 : vector<2000x128xf32>
    %mul3A_28 = arith.constant 0.00999999977 : f32
    %mul3A_29 = vector.broadcast %mul3A_28 : f32 to vector<2000x128xf32>
    %mul3A_30 = arith.mulf %mul3A_29, %add3A_25 : vector<2000x128xf32>
    %select_n3A = arith.select %ge3A_27, %add3A_25, %mul3A_30 : vector<2000x128xi1>, vector<2000x128xf32>
    %add3A_31 = arith.constant 1.000000e+00 : f32
    %add3A_32 = vector.broadcast %add3A_31 : f32 to vector<2000x128xf32>
    %add3A_33 = arith.addf %select_n3A, %add3A_32 : vector<2000x128xf32>
    %swap3A = arith.constant 0 : index
    %swap3A_34 = arith.constant 0 : index
    %swap3A_35 = vector.load %arg6[%swap3A, %swap3A_34] : memref<2000x128xf32, #tpu.memory_space<vmem>>, vector<2000x128xf32>
    tpu.vector_store %arg6[%swap3A, %swap3A_34], %add3A_33 {strides = array<i32>} : memref<2000x128xf32, #tpu.memory_space<vmem>>, vector<2000x128xf32>,
    return
  }
  func.func @transform_0(%arg0: i32) -> (i32, i32, i32) {
    %c0_i32 = arith.constant 0 : i32
    %c0_i32_0 = arith.constant 0 : i32
    %c0_i32_1 = arith.constant 0 : i32
    return %c0_i32, %arg0, %c0_i32_0 : i32, i32, i32
  }
  func.func @transform_1(%arg0: i32) -> (i32, i32) {
    %c0_i32 = arith.constant 0 : i32
    %c0_i32_0 = arith.constant 0 : i32
    return %arg0, %c0_i32 : i32, i32
  }
  func.func @transform_2(%arg0: i32) -> (i32, i32) {
    %c0_i32 = arith.constant 0 : i32
    %c0_i32_0 = arith.constant 0 : i32
    return %arg0, %c0_i32 : i32, i32
  }
  func.func @transform_3(%arg0: i32) -> (i32, i32) {
    %c0_i32 = arith.constant 0 : i32
    %c0_i32_0 = arith.constant 0 : i32
    %c0_i32_1 = arith.constant 0 : i32
    return %c0_i32, %c0_i32_0 : i32, i32
  }
  func.func @transform_4(%arg0: i32) -> (i32, i32) {
    %c0_i32 = arith.constant 0 : i32
    %c0_i32_0 = arith.constant 0 : i32
    %c0_i32_1 = arith.constant 0 : i32
    return %c0_i32, %c0_i32_0 : i32, i32
  }
  func.func @transform_5(%arg0: i32) -> (i32, i32) {
    %c0_i32 = arith.constant 0 : i32
    %c0_i32_0 = arith.constant 0 : i32
    return %arg0, %c0_i32 : i32, i32
  }
}

</mosaic_0001>

<sc_bundles>
// kernel: kernel.6.cloned.1.call-start
scs
__scs_entry_jumppad:
0x0: {  	(pc) =	sbr.rel $0x88, $3  }
0x1: {  	(tag) =	ssettag $0x0;
	lr =	simm.s32 $0x1  }
0x2: {  	[smem:$0x3F9D] =	sst lr;
	_ =	strace $0xD0000000  }
0x3: {  	_ = 	snop  }
0x4: {  	_ = 	snop  }
0x5: {  	_ = 	snop  }
0x6: {  	_ = 	snop  }
0x7: {  	_ = 	snop  }
__scs_overlays_trampoline_lowered:
0x8: {  	[smem:$0x3FAC] =	sst s0  }
0x9: {  	[smem:$0x3FAD] =	sst s1  }
0xa: {  	[smem:$0x3FAE] =	sst s2  }
0xb: {  	[smem:$0x3FAF] =	sst s3  }
0xc: {  	[smem:$0x3FB0] =	sst s4  }
0xd: {  	[smem:$0x3FB1] =	sst s5  }
0xe: {  	[smem:$0x3FB2] =	sst s6  }
0xf: {  	[smem:$0x3FB3] =	sst s7  }
0x10: {  	[smem:$0x3FB4] =	sst s8  }
0x11: {  	[smem:$0x3FB5] =	sst s9;
	s0 =	simm.s32 @!p0 $0x0  }
0x12: {  	s1 =	sld [smem:$0x3F9B];
	s0 =	simm.s32 @p0 $0x1  }
0x13: {  	[smem:$0x3FB6] =	sst s0;
	s0 =	simm.s32 @!p1 $0x0  }
0x14: {  	s2 =	sld [smem:$0x3F9A];
	s0 =	simm.s32 @p1 $0x1  }
0x15: {  	[smem:$0x3FB7] =	sst s0;
	s0 =	simm.s32 @!p2 $0x0  }
0x16: {  	s3 =	sld [smem:$0x3FDB];
	s0 =	simm.s32 @p2 $0x1  }
0x17: {  	s4 =	simm.s32 $0x1BF5;
	[smem:$0x3FB9] =	sst s0  }
0x18: {  	s0 =	sld [smem:$0x3F9C];
	_ =	swait.ge [sflag:s4], $0x0  }
0x19: {  	s7 =	sld [smem:$0x3F9D]  }
0x1a: {  	s8 =	sadd.s32 $0xFFFFE003, lr  }
0x1b: {  	s9 =	sadd.s32 $0xFFFFFEF7, lr;
	s5 =	simm.s32 $0xFFFFFFFF;
	p2 =	slt.u32 s8, $0xFFFFF086  }
0x1c: {  	p1 =	slt.u32 s9, $0xF7A;
	s5 =	simm.s32 @!p2 $0x0  }
0x1d: {  	s5 =	simm.s32 @p1 $0x1;
	p0 =	seq.s32 s7, s2  }
0x1e: {  	s7 =	smul.u32 @!p0 $0xF7A, s2;
	p2 =	seq.s32 @!p0 s5, $0x0  }
0x1f: {  	s9 =	smul.u32 $0xF7A, s1;
	s8 =	simm.s32 @!p0 $0x1BF5;
	p2 =	por !p2, p0  }
0x20: {  	[sflag:s8] =	ssyncset.s32 @!p0 $0xFFFFF086;
	s6 =	sadd.s32 @!p0 s3, s7;
	s7 =	simm.s32 @!p0 $0x108  }
0x21: {  	s3 =	sadd.s32 s3, s9;
	s6 =	sadd.s32 @!p0 $0x88, s6;
	s7 =	simm.s32 @p2 $0x1082  }
0x22: {  	[simem:s7], [sflag:s8] =	dma.local @!p0 [hbm:s6], $0xF7A  }
0x23: {  	s9 =	sor.u32 $0xD0000000, s2;
	s6 =	simm.s32 $0x108;
	_ =	swait.ge @!p0 [sflag:s8], $0x0  }
0x24: {  	s3 =	sadd.s32 $0x88, s3;
	s6 =	simm.s32 @!p1 $0x1082;
	[sflag:s4] =	ssyncset.s32 $0xFFFFF086  }
0x25: {  	[simem:s6], [sflag:s4] =	dma.local [hbm:s3], $0xF7A  }
0x26: {  	[smem:$0x3F9D] =	sst s1;
	(tag) =	ssettag s2;
	_ =	strace s9  }
0x27: {  	s1 =	sld [smem:$0x3FAD]  }
0x28: {  	s2 =	sld [smem:$0x3FAE]  }
0x29: {  	s4 =	sld [smem:$0x3FB0]  }
0x2a: {  	p0 =	seq.s32 s5, $0x0;
	s5 =	sld [smem:$0x3FB1]  }
0x2b: {  	s6 =	sld [smem:$0x3FB2]  }
0x2c: {  	s7 =	sld [smem:$0x3FB3]  }
0x2d: {  	s3 =	simm.s32 $0x108;
	s8 =	sld [smem:$0x3FB4]  }
0x2e: {  	s3 =	simm.s32 @!p0 $0x1082;
	s9 =	sld [smem:$0x3FB5]  }
0x2f: {  	lr =	sadd.s32 s0, s3;
	s0 =	sld [smem:$0x3FAC]  }
0x30: {  	s3 =	sld [smem:$0x3FAF]  }
0x31: {  	[smem:$0x3FB8] =	sst s10  }
0x32: {  	s10 =	sld [smem:$0x3FB6];
	_ =	sdelay $0x3  }
0x33: {  	p0 =	seq.s32 s10, $0x1;
	s10 =	sld [smem:$0x3FB8];
	_ =	sdelay $0x3  }
0x34: {  	[smem:$0x3FB8] =	sst s10  }
0x35: {  	s10 =	sld [smem:$0x3FB7];
	_ =	sdelay $0x3  }
0x36: {  	p1 =	seq.s32 s10, $0x1;
	s10 =	sld [smem:$0x3FB8];
	_ =	sdelay $0x3  }
0x37: {  	[smem:$0x3FB8] =	sst s10  }
0x38: {  	s10 =	sld [smem:$0x3FB9]  }
0x39: {  	_ = 	snop;
	(pc) =	sbr.ind lr, $3  }
0x3a: {  	_ = 	snop  }
0x3b: {  	_ = 	snop  }
0x3c: {  	p2 =	seq.s32 s10, $0x1;
	s10 =	sld [smem:$0x3FB8]  }
0x3d: {  	_ =	shalt  }
0x3e: {  	_ =	shalt  }
0x3f: {  	_ =	shalt  }
0x40: {  	_ =	shalt  }
0x41: {  	_ =	shalt  }
0x42: {  	_ =	shalt  }
0x43: {  	_ =	shalt  }
0x44: {  	_ =	shalt  }
0x45: {  	_ =	shalt  }
0x46: {  	_ =	shalt  }
0x47: {  	_ =	shalt  }
0x48: {  	_ =	shalt  }
0x49: {  	_ =	shalt  }
0x4a: {  	_ =	shalt  }
0x4b: {  	_ =	shalt  }
0x4c: {  	_ =	shalt  }
0x4d: {  	_ =	shalt  }
0x4e: {  	_ =	shalt  }
0x4f: {  	_ =	shalt  }
0x50: {  	_ =	shalt  }
0x51: {  	_ =	shalt  }
0x52: {  	_ =	shalt  }
0x53: {  	_ =	shalt  }
0x54: {  	_ =	shalt  }
0x55: {  	_ =	shalt  }
0x56: {  	_ =	shalt  }
0x57: {  	_ =	shalt  }
0x58: {  	_ =	shalt  }
0x59: {  	_ =	shalt  }
0x5a: {  	_ =	shalt  }
0x5b: {  	_ =	shalt  }
0x5c: {  	_ =	shalt  }
0x5d: {  	_ =	shalt  }
0x5e: {  	_ =	shalt  }
0x5f: {  	_ =	shalt  }
0x60: {  	_ =	shalt  }
0x61: {  	_ =	shalt  }
0x62: {  	_ =	shalt  }
0x63: {  	_ =	shalt  }
0x64: {  	_ =	shalt  }
0x65: {  	_ =	shalt  }
0x66: {  	_ =	shalt  }
0x67: {  	_ =	shalt  }
0x68: {  	_ =	shalt  }
0x69: {  	_ =	shalt  }
0x6a: {  	_ =	shalt  }
0x6b: {  	_ =	shalt  }
0x6c: {  	_ =	shalt  }
0x6d: {  	_ =	shalt  }
0x6e: {  	_ =	shalt  }
0x6f: {  	_ =	shalt  }
0x70: {  	_ =	shalt  }
0x71: {  	_ =	shalt  }
0x72: {  	_ =	shalt  }
0x73: {  	_ =	shalt  }
0x74: {  	_ =	shalt  }
0x75: {  	_ =	shalt  }
0x76: {  	_ =	shalt  }
0x77: {  	_ =	shalt  }
0x78: {  	_ =	shalt  }
0x79: {  	_ =	shalt  }
0x7a: {  	_ =	shalt  }
0x7b: {  	_ =	shalt  }
0x7c: {  	_ =	shalt  }
0x7d: {  	_ =	shalt  }
0x7e: {  	_ =	shalt  }
0x7f: {  	_ =	shalt  }
0x80: {  	_ =	shalt  }
0x81: {  	_ =	shalt  }
0x82: {  	_ =	shalt  }
0x83: {  	_ =	shalt  }
0x84: {  	_ =	shalt  }
0x85: {  	_ =	shalt  }
0x86: {  	_ =	shalt  }
0x87: {  	_ =	shalt  }
.Lfunc_end0:
.L_simem_size_0:
called_computation_lowered:
.L_overlay_start_0:
0x88: {  	s2 =	sld [smem:$0x3FD9]  }
0x89: {  	s3 =	sld [smem:$0x3FFE];
	_ =	sdelay $0x1  }
0x8a: {  	s1 =	srdreg.scid  }
0x8b: {  	s0 =	sand.u32 $0x1, s1  }
0x8c: {  	s17 =	sshll.u32 s0, $0xA;
	s2 =	sadd.s32 s3, s2  }
0x8d: {  	s2 =	sadd.s32 s2, s17  }
0x8e: {  	[smem:$0x3FC4] =	sst s2  }
0x8f: {  	_ = 	snop  }
0x90: {  	s2 =	sld [smem:$0x3FD0];
	(tm) =	ssettm $0x1  }
0x91: {  	s18 =	sld [smem:$0x3FFB];
	_ =	sdelay $0x3  }
0x92: {  	_ =	strace s18  }
0x93: {  	s3 =	sld [smem:$0x3FFC];
	_ =	sdelay $0x3  }
0x94: {  	_ =	strace s3  }
0x95: {  	s3 =	sld [smem:$0x3FFD];
	_ =	sdelay $0x3  }
0x96: {  	_ =	strace s3  }
0x97: {  	_ =	strace $0x8FFFFFFF  }
0x98: {  	s19 =	sld [smem:$0x3FDB];
	_ =	sdelay $0x1  }
0x99: {  	s4 =	simm.s32 $_scs_section_size  }
0x9a: {  	s5 =	simm.s32 $_size__tile_overlayer_lowered;
	s6 =	simm.s32 $_tile_overlayer_lowered  }
0x9b: {  	s22 =	simm.s32 $0x1BFF;
	s21 =	sshll.u32 s6, $0x1;
	s3 =	sadd.s32 s4, s19  }
0x9c: {  	s7 =	simm.s32 $0x0;
	s20 =	sshll.u32 s5, $0x1;
	s5 =	sadd.s32 s21, s3  }
0x9d: {  	[timem:s7], [sflag:s22] =	dma.local [hbm:s5], s20  }
0x9e: {  	_ =	swait.ge [sflag:s22], s20  }
0x9f: {  	s4 =	ssub.s32 $0x0, s20;
	[sflag:s22] =	ssyncset.done $0x0  }
0xa0: {  	[sflag:s22] =	ssyncadd.s32 s4;
	_ =	sdelay $0x1  }
0xa1: {  	s23 =	simm.s32 $0x1B8B  }
0xa2: {  	_ =	swait.ge [sflag:s23], $0x1  }
0xa3: {  	[sflag:s23] =	ssyncset.done $0x0  }
0xa4: {  	s25 =	simm.s32 $0x1B8E;
	s24 =	sld [smem:$0x3FFE];
	[sflag:s23] =	ssyncadd.s32 $0xFFFFFFFF  }
0xa5: {  	s26 =	simm.s32 $execute0_lowered;
	[smem:$0x3FD2] =	sst s25  }
0xa6: {  	s5 =	sshll.u32 s26, $0x1;
	_ =	strace $0x80000046;
	[dreg:$0x1] =	wrdreg $0xFFFFFFFF  }
0xa7: {  	s28 =	simm.s32 $_size_execute0_lowered;
	s3 =	sadd.s32 s3, s5;
	[dreg:$0x0] =	wrdreg $0x0  }
0xa8: {  	s5 =	sshll.u32 s28, $0x1;
	[dreg:$0x2] =	wrdreg s3  }
0xa9: {  	[dreg:$0x3] =	wrdreg s5  }
0xaa: {  	[dreg:$0x4] =	wrdreg $0xC0  }
0xab: {  	_ =	task [dreg:s7], $0x5FFFF  }
0xac: {  	[dreg:$0x1] =	wrdreg $0xFFFFFFFF  }
0xad: {  	[dreg:$0x0] =	wrdreg $0x60  }
0xae: {  	[dreg:$0x2] =	wrdreg s2  }
0xaf: {  	[dreg:$0x3] =	wrdreg s24  }
0xb0: {  	[dreg:$0x4] =	wrdreg $0x9  }
0xb1: {  	_ =	task.clear_ibuf [dreg:s7], $0x5FFFF;
	_ =	strace $0x90000046  }
0xb2: {  	s29 =	simm.s32 $0x9;
	_ =	strace $0x80000048  }
0xb3: {  	_ =	swait.ge [sflag:s29], $0x1  }
0xb4: {  	[sflag:s29] =	ssyncadd.s32 $0xFFFFFFFF  }
0xb5: {  	_ =	strace $0x90000048  }
0xb6: {  	_ =	sfence  }
0xb7: {  	s30 =	sld [smem:$0x0];
	_ =	sdelay $0x2  }
0xb8: {  	s31 =	sshll.u32 s1, $0xD;
	s1 =	sshrl.u32 s1, $0x2  }
0xb9: {  	s3 =	sand.u32 $0x4000, s31;
	s1 =	sadd.s32 s1, s30  }
0xba: {  	s0 =	sor.u32 s3, s0;
	s1 =	sshll.u32 s1, $0x11  }
0xbb: {  	s0 =	sor.u32 s1, s0  }
0xbc: {  	s0 =	sadd.s32 $0x8F2B, s0  }
0xbd: {  	[sflag:s0] =	ssyncadd.remote.s32 $0x1  }
0xbe: {  	_ =	sfence.sel $0xFFFF  }
0xbf: {  	[dreg:$0x0] =	wrdreg $0xFFFFFFFF;
	(pc) =	sbr.abs _section_cstart, $3  }
0xc0: {  	[dreg:$0x1] =	wrdreg $0xFFFFFFFF  }
0xc1: {  	_ =	task.clear_ibuf [dreg:s7], $0x2FFFF;
	_ =	strace $0x9FFFFFFF  }
0xc2: {  	(tm) =	ssettm $0x7FFFFFFF  }
0xc3: {  	_ =	shalt  }
tec
execute0_lowered:
.L_overlay_start_1:
0x0: {  	(tag) =	ssettag $0x1  }
0x1: {  	s0 =	srdreg.scid;
	s4 =	rddreg [dreg:$0x0]  }
0x2: {  	s5 =	rddreg [dreg:$0x1];
	s1 =	stileid.u32;
	s3 =	sand.u32 $0x1, s0  }
0x3: {  	s2 =	simm.s32 $0x0;
	s9 =	simm.s32 $0x0;
	s6 =	sshll.u32 s3, $0x4  }
0x4: {  	s0 =	rddreg [dreg:$0x2];
	s7 =	ssub.s32 $0x2, s3;
	s6 =	sor.u32 s1, s6  }
0x5: {  	[smem:$0x7FF] =	sst s2;
	s8 =	sshrl.u32 s7, $0x1;
	s6 =	smul.u32 $0x4E2, s6  }
0x6: {  	_ =	strace $0x80000047;
	s3 =	sadd.s32 $0xBA00, s5;
	s7 =	ssub.s32 s7, s8  }
0x7: {  	s8 =	simm.s32 $0x2780;
	s5 =	sadd.s32 s6, s5;
	s4 =	sadd.s32 s4, s6  }
0x8: {  	v0 =	vimm.f32 $1.000000000e+00;
	s6 =	smax.u32 s7, $0x1;
	s7 =	simm.s32 $0x1;
	s5 =	sadd.s32 $0xC000, s5  }
.LBB2_1:
0x9: {  	[tilespmem:s2], [sflag:$0x1] =	stream.linear.gather [hbm4b:s4+s2], $0x2710, $0x38;
	[tilespmem:$0x4F00] =	vst v63  }
0xa: {  	_ =	swait.ge [sflag:s7], $0x2710  }
0xb: {  	[sflag:s7] =	ssyncset.done $0x0  }
0xc: {  	[sflag:s7] =	ssyncadd.s32 $0xFFFFD8F0  }
0xd: {  	[tilespmem:s8], [sflag:$0x1] =	stream.linear.gather [hbm4b:s3+s2], $0x2780, $0x38;
	[tilespmem:$0x4F00] =	vst v63  }
0xe: {  	_ =	swait.ge [sflag:s7], $0x2780  }
0xf: {  	[sflag:s7] =	ssyncset.done $0x0  }
0x10: {  	s10 =	simm.s32 $0x0;
	[sflag:s7] =	ssyncadd.s32 $0xFFFFD880  }
.LBB2_2:
0x11: {  	s11 =	sshra.s32 s10, $0x2  }
0x12: {  	v1 =	vld [tilespmem:s11+$0x0];
	_ =	sdelay $0x7  }
0x13: {  	[tilespmem:v1+s8+$0x0] =	vst.idx.add.f32.msk $0xffff, v0  }
0x14: {  	v1 =	vld [tilespmem:s11+$0x10];
	_ =	sdelay $0x7  }
0x15: {  	[tilespmem:v1+s8+$0x0] =	vst.idx.add.f32.msk $0xffff, v0  }
0x16: {  	v1 =	vld [tilespmem:s11+$0x20];
	_ =	sdelay $0x7  }
0x17: {  	[tilespmem:v1+s8+$0x0] =	vst.idx.add.f32.msk $0xffff, v0  }
0x18: {  	v1 =	vld [tilespmem:s11+$0x30];
	_ =	sdelay $0x7  }
0x19: {  	[tilespmem:v1+s8+$0x0] =	vst.idx.add.f32.msk $0xffff, v0  }
0x1a: {  	v1 =	vld [tilespmem:s11+$0x40];
	_ =	sdelay $0x2  }
0x1b: {  	p0 =	sne.s32 s10, $0x9B00  }
.Ltmp0:
0x1c: {  	_ = 	snop;
	(pc) =	sbr.rel @p0 .LBB2_2-.Ltmp0, $2  }
0x1d: {  	_ =	sdelay $0x2  }
0x1e: {  	s10 =	sadd.s32 $0x140, s10;
	[tilespmem:v1+s8+$0x0] =	vst.idx.add.f32.msk $0xffff, v0  }
0x1f: {  	s9 =	sadd.s32 $0x1, s9  }
0x20: {  	p0 =	sne.s32 s9, s6  }
.Ltmp1:
0x21: {  	_ = 	snop;
	(pc) =	sbr.rel @p0 .LBB2_1-.Ltmp1, $4  }
0x22: {  	[hbm4b:s5+s2] =	stream.linear.scatter [tilespmem:s8], [sflag:$0x1], $0x2710, $0x38;
	[tilespmem:$0x4F00] =	vst v63  }
0x23: {  	_ =	swait.ge [sflag:s7], $0x2710  }
0x24: {  	[sflag:s7] =	ssyncset.done $0x0  }
0x25: {  	[sflag:s7] =	ssyncadd.s32 $0xFFFFD8F0  }
0x26: {  	_ =	sfence.sel $0x180000  }
0x27: {  	[bflag:$0x0] =	sbarrier.arrive $0xFFFF  }
0x28: {  	p0 =	sne.s32 s1, $0x0;
	_ =	strace $0x90000047  }
0x29: {  	s0 =	sadd.s32 @!p0 $0x100000, s0;
	[bflag:$0x2] =	sbarrier.arrive $0xFFFF  }
0x2a: {  	[sflag:s0] =	ssyncadd.tile.s32 @!p0 $0x1;
	_ =	shalt  }
.Lfunc_end2:
_tile_overlayer_lowered:
.L_overlay_start_2:
0x2b: {  	(tag) =	ssettag $0x2  }
0x2c: {  	s0 =	rddreg [dreg:$0x0];
	s2 =	stileid.u32  }
0x2d: {  	s1 =	rddreg [dreg:$0x1];
	p0 =	sne.s32 s2, $0x0  }
0x2e: {  	s3 =	rddreg [dreg:$0x2];
	[bflag:$0x3] =	sbarrier.arrive $0xFFFF;
	s2 =	simm.s32 @!p0 $0x1C01  }
0x2f: {  	[timem:s3], [sflag:s2] =	dma.local @!p0 [hbm:s0], s1  }
0x30: {  	s0 =	simm.s32 @!p0 $0x1  }
0x31: {  	_ =	swait.ge @!p0 [sflag:s0], s1  }
0x32: {  	s1 =	ssub.s32 @!p0 $0x0, s1;
	[sflag:s0] =	ssyncset.done @!p0 $0x0  }
0x33: {  	[sflag:s0] =	ssyncadd.s32 @!p0 s1  }
0x34: {  	[bflag:$0x3] =	sbarrier.arrive $0xFFFF  }
0x35: {  	_ =	shalt  }

// kernel: kernel.9.cloned.1.call-start
scs
__scs_entry_jumppad:
0x0: {  	(pc) =	sbr.rel $0x88, $3  }
0x1: {  	(tag) =	ssettag $0x0;
	lr =	simm.s32 $0x1  }
0x2: {  	[smem:$0x3F9D] =	sst lr;
	_ =	strace $0xD0000000  }
0x3: {  	_ = 	snop  }
0x4: {  	_ = 	snop  }
0x5: {  	_ = 	snop  }
0x6: {  	_ = 	snop  }
0x7: {  	_ = 	snop  }
__scs_overlays_trampoline_lowered:
0x8: {  	[smem:$0x3FAC] =	sst s0  }
0x9: {  	[smem:$0x3FAD] =	sst s1  }
0xa: {  	[smem:$0x3FAE] =	sst s2  }
0xb: {  	[smem:$0x3FAF] =	sst s3  }
0xc: {  	[smem:$0x3FB0] =	sst s4  }
0xd: {  	[smem:$0x3FB1] =	sst s5  }
0xe: {  	[smem:$0x3FB2] =	sst s6  }
0xf: {  	[smem:$0x3FB3] =	sst s7  }
0x10: {  	[smem:$0x3FB4] =	sst s8  }
0x11: {  	[smem:$0x3FB5] =	sst s9;
	s0 =	simm.s32 @!p0 $0x0  }
0x12: {  	s1 =	sld [smem:$0x3F9B];
	s0 =	simm.s32 @p0 $0x1  }
0x13: {  	[smem:$0x3FB6] =	sst s0;
	s0 =	simm.s32 @!p1 $0x0  }
0x14: {  	s2 =	sld [smem:$0x3F9A];
	s0 =	simm.s32 @p1 $0x1  }
0x15: {  	[smem:$0x3FB7] =	sst s0;
	s0 =	simm.s32 @!p2 $0x0  }
0x16: {  	s3 =	sld [smem:$0x3FDB];
	s0 =	simm.s32 @p2 $0x1  }
0x17: {  	s4 =	simm.s32 $0x1BF5;
	[smem:$0x3FB9] =	sst s0  }
0x18: {  	s0 =	sld [smem:$0x3F9C];
	_ =	swait.ge [sflag:s4], $0x0  }
0x19: {  	s7 =	sld [smem:$0x3F9D]  }
0x1a: {  	s8 =	sadd.s32 $0xFFFFE003, lr  }
0x1b: {  	s9 =	sadd.s32 $0xFFFFFEF7, lr;
	s5 =	simm.s32 $0xFFFFFFFF;
	p2 =	slt.u32 s8, $0xFFFFF086  }
0x1c: {  	p1 =	slt.u32 s9, $0xF7A;
	s5 =	simm.s32 @!p2 $0x0  }
0x1d: {  	s5 =	simm.s32 @p1 $0x1;
	p0 =	seq.s32 s7, s2  }
0x1e: {  	s7 =	smul.u32 @!p0 $0xF7A, s2;
	p2 =	seq.s32 @!p0 s5, $0x0  }
0x1f: {  	s9 =	smul.u32 $0xF7A, s1;
	s8 =	simm.s32 @!p0 $0x1BF5;
	p2 =	por !p2, p0  }
0x20: {  	[sflag:s8] =	ssyncset.s32 @!p0 $0xFFFFF086;
	s6 =	sadd.s32 @!p0 s3, s7;
	s7 =	simm.s32 @!p0 $0x108  }
0x21: {  	s3 =	sadd.s32 s3, s9;
	s6 =	sadd.s32 @!p0 $0x88, s6;
	s7 =	simm.s32 @p2 $0x1082  }
0x22: {  	[simem:s7], [sflag:s8] =	dma.local @!p0 [hbm:s6], $0xF7A  }
0x23: {  	s9 =	sor.u32 $0xD0000000, s2;
	s6 =	simm.s32 $0x108;
	_ =	swait.ge @!p0 [sflag:s8], $0x0  }
0x24: {  	s3 =	sadd.s32 $0x88, s3;
	s6 =	simm.s32 @!p1 $0x1082;
	[sflag:s4] =	ssyncset.s32 $0xFFFFF086  }
0x25: {  	[simem:s6], [sflag:s4] =	dma.local [hbm:s3], $0xF7A  }
0x26: {  	[smem:$0x3F9D] =	sst s1;
	(tag) =	ssettag s2;
	_ =	strace s9  }
0x27: {  	s1 =	sld [smem:$0x3FAD]  }
0x28: {  	s2 =	sld [smem:$0x3FAE]  }
0x29: {  	s4 =	sld [smem:$0x3FB0]  }
0x2a: {  	p0 =	seq.s32 s5, $0x0;
	s5 =	sld [smem:$0x3FB1]  }
0x2b: {  	s6 =	sld [smem:$0x3FB2]  }
0x2c: {  	s7 =	sld [smem:$0x3FB3]  }
0x2d: {  	s3 =	simm.s32 $0x108;
	s8 =	sld [smem:$0x3FB4]  }
0x2e: {  	s3 =	simm.s32 @!p0 $0x1082;
	s9 =	sld [smem:$0x3FB5]  }
0x2f: {  	lr =	sadd.s32 s0, s3;
	s0 =	sld [smem:$0x3FAC]  }
0x30: {  	s3 =	sld [smem:$0x3FAF]  }
0x31: {  	[smem:$0x3FB8] =	sst s10  }
0x32: {  	s10 =	sld [smem:$0x3FB6];
	_ =	sdelay $0x3  }
0x33: {  	p0 =	seq.s32 s10, $0x1;
	s10 =	sld [smem:$0x3FB8];
	_ =	sdelay $0x3  }
0x34: {  	[smem:$0x3FB8] =	sst s10  }
0x35: {  	s10 =	sld [smem:$0x3FB7];
	_ =	sdelay $0x3  }
0x36: {  	p1 =	seq.s32 s10, $0x1;
	s10 =	sld [smem:$0x3FB8];
	_ =	sdelay $0x3  }
0x37: {  	[smem:$0x3FB8] =	sst s10  }
0x38: {  	s10 =	sld [smem:$0x3FB9]  }
0x39: {  	_ = 	snop;
	(pc) =	sbr.ind lr, $3  }
0x3a: {  	_ = 	snop  }
0x3b: {  	_ = 	snop  }
0x3c: {  	p2 =	seq.s32 s10, $0x1;
	s10 =	sld [smem:$0x3FB8]  }
0x3d: {  	_ =	shalt  }
0x3e: {  	_ =	shalt  }
0x3f: {  	_ =	shalt  }
0x40: {  	_ =	shalt  }
0x41: {  	_ =	shalt  }
0x42: {  	_ =	shalt  }
0x43: {  	_ =	shalt  }
0x44: {  	_ =	shalt  }
0x45: {  	_ =	shalt  }
0x46: {  	_ =	shalt  }
0x47: {  	_ =	shalt  }
0x48: {  	_ =	shalt  }
0x49: {  	_ =	shalt  }
0x4a: {  	_ =	shalt  }
0x4b: {  	_ =	shalt  }
0x4c: {  	_ =	shalt  }
0x4d: {  	_ =	shalt  }
0x4e: {  	_ =	shalt  }
0x4f: {  	_ =	shalt  }
0x50: {  	_ =	shalt  }
0x51: {  	_ =	shalt  }
0x52: {  	_ =	shalt  }
0x53: {  	_ =	shalt  }
0x54: {  	_ =	shalt  }
0x55: {  	_ =	shalt  }
0x56: {  	_ =	shalt  }
0x57: {  	_ =	shalt  }
0x58: {  	_ =	shalt  }
0x59: {  	_ =	shalt  }
0x5a: {  	_ =	shalt  }
0x5b: {  	_ =	shalt  }
0x5c: {  	_ =	shalt  }
0x5d: {  	_ =	shalt  }
0x5e: {  	_ =	shalt  }
0x5f: {  	_ =	shalt  }
0x60: {  	_ =	shalt  }
0x61: {  	_ =	shalt  }
0x62: {  	_ =	shalt  }
0x63: {  	_ =	shalt  }
0x64: {  	_ =	shalt  }
0x65: {  	_ =	shalt  }
0x66: {  	_ =	shalt  }
0x67: {  	_ =	shalt  }
0x68: {  	_ =	shalt  }
0x69: {  	_ =	shalt  }
0x6a: {  	_ =	shalt  }
0x6b: {  	_ =	shalt  }
0x6c: {  	_ =	shalt  }
0x6d: {  	_ =	shalt  }
0x6e: {  	_ =	shalt  }
0x6f: {  	_ =	shalt  }
0x70: {  	_ =	shalt  }
0x71: {  	_ =	shalt  }
0x72: {  	_ =	shalt  }
0x73: {  	_ =	shalt  }
0x74: {  	_ =	shalt  }
0x75: {  	_ =	shalt  }
0x76: {  	_ =	shalt  }
0x77: {  	_ =	shalt  }
0x78: {  	_ =	shalt  }
0x79: {  	_ =	shalt  }
0x7a: {  	_ =	shalt  }
0x7b: {  	_ =	shalt  }
0x7c: {  	_ =	shalt  }
0x7d: {  	_ =	shalt  }
0x7e: {  	_ =	shalt  }
0x7f: {  	_ =	shalt  }
0x80: {  	_ =	shalt  }
0x81: {  	_ =	shalt  }
0x82: {  	_ =	shalt  }
0x83: {  	_ =	shalt  }
0x84: {  	_ =	shalt  }
0x85: {  	_ =	shalt  }
0x86: {  	_ =	shalt  }
0x87: {  	_ =	shalt  }
.Lfunc_end0:
.L_simem_size_0:
called_computation.1_lowered:
.L_overlay_start_0:
0x88: {  	s2 =	sld [smem:$0x3FD9]  }
0x89: {  	s3 =	sld [smem:$0x3FFE];
	_ =	sdelay $0x1  }
0x8a: {  	s1 =	srdreg.scid  }
0x8b: {  	s0 =	sand.u32 $0x1, s1  }
0x8c: {  	s17 =	sshll.u32 s0, $0xA;
	s2 =	sadd.s32 s3, s2  }
0x8d: {  	s2 =	sadd.s32 s2, s17  }
0x8e: {  	[smem:$0x3FC4] =	sst s2  }
0x8f: {  	_ = 	snop  }
0x90: {  	s2 =	sld [smem:$0x3FD0];
	(tm) =	ssettm $0x1  }
0x91: {  	s18 =	sld [smem:$0x3FFB];
	_ =	sdelay $0x3  }
0x92: {  	_ =	strace s18  }
0x93: {  	s3 =	sld [smem:$0x3FFC];
	_ =	sdelay $0x3  }
0x94: {  	_ =	strace s3  }
0x95: {  	s3 =	sld [smem:$0x3FFD];
	_ =	sdelay $0x3  }
0x96: {  	_ =	strace s3  }
0x97: {  	_ =	strace $0x8FFFFFFF  }
0x98: {  	s19 =	sld [smem:$0x3FDB];
	_ =	sdelay $0x1  }
0x99: {  	s4 =	simm.s32 $_scs_section_size  }
0x9a: {  	s5 =	simm.s32 $_size__tile_overlayer_lowered;
	s6 =	simm.s32 $_tile_overlayer_lowered  }
0x9b: {  	s22 =	simm.s32 $0x1BFF;
	s21 =	sshll.u32 s6, $0x1;
	s3 =	sadd.s32 s4, s19  }
0x9c: {  	s7 =	simm.s32 $0x0;
	s20 =	sshll.u32 s5, $0x1;
	s5 =	sadd.s32 s21, s3  }
0x9d: {  	[timem:s7], [sflag:s22] =	dma.local [hbm:s5], s20  }
0x9e: {  	_ =	swait.ge [sflag:s22], s20  }
0x9f: {  	s4 =	ssub.s32 $0x0, s20;
	[sflag:s22] =	ssyncset.done $0x0  }
0xa0: {  	[sflag:s22] =	ssyncadd.s32 s4;
	_ =	sdelay $0x1  }
0xa1: {  	s23 =	simm.s32 $0x1B8B  }
0xa2: {  	_ =	swait.ge [sflag:s23], $0x1  }
0xa3: {  	[sflag:s23] =	ssyncset.done $0x0  }
0xa4: {  	s25 =	simm.s32 $0x1B8E;
	s24 =	sld [smem:$0x3FFE];
	[sflag:s23] =	ssyncadd.s32 $0xFFFFFFFF  }
0xa5: {  	s26 =	simm.s32 $execute0_lowered;
	[smem:$0x3FD2] =	sst s25  }
0xa6: {  	s5 =	sshll.u32 s26, $0x1;
	_ =	strace $0x80000049;
	[dreg:$0x1] =	wrdreg $0xFFFFFFFF  }
0xa7: {  	s28 =	simm.s32 $_size_execute0_lowered;
	s3 =	sadd.s32 s3, s5;
	[dreg:$0x0] =	wrdreg $0x0  }
0xa8: {  	s5 =	sshll.u32 s28, $0x1;
	[dreg:$0x2] =	wrdreg s3  }
0xa9: {  	[dreg:$0x3] =	wrdreg s5  }
0xaa: {  	[dreg:$0x4] =	wrdreg $0xC0  }
0xab: {  	_ =	task [dreg:s7], $0x5FFFF  }
0xac: {  	[dreg:$0x1] =	wrdreg $0xFFFFFFFF  }
0xad: {  	[dreg:$0x0] =	wrdreg $0x60  }
0xae: {  	[dreg:$0x2] =	wrdreg s24  }
0xaf: {  	[dreg:$0x3] =	wrdreg s2  }
0xb0: {  	[dreg:$0x4] =	wrdreg $0xB7800  }
0xb1: {  	[dreg:$0x5] =	wrdreg $0x9  }
0xb2: {  	_ =	task.clear_ibuf [dreg:s7], $0x6FFFF;
	_ =	strace $0x90000049  }
0xb3: {  	s29 =	simm.s32 $0x9;
	_ =	strace $0x8000004B  }
0xb4: {  	_ =	swait.ge [sflag:s29], $0x1  }
0xb5: {  	[sflag:s29] =	ssyncadd.s32 $0xFFFFFFFF  }
0xb6: {  	_ =	strace $0x9000004B  }
0xb7: {  	_ =	sfence  }
0xb8: {  	s30 =	sld [smem:$0x0];
	_ =	sdelay $0x2  }
0xb9: {  	s31 =	sshll.u32 s1, $0xD;
	s1 =	sshrl.u32 s1, $0x2  }
0xba: {  	s3 =	sand.u32 $0x4000, s31;
	s1 =	sadd.s32 s1, s30  }
0xbb: {  	s0 =	sor.u32 s3, s0;
	s1 =	sshll.u32 s1, $0x11  }
0xbc: {  	s0 =	sor.u32 s1, s0  }
0xbd: {  	s0 =	sadd.s32 $0x8F2B, s0  }
0xbe: {  	[sflag:s0] =	ssyncadd.remote.s32 $0x1  }
0xbf: {  	_ =	sfence.sel $0xFFFF  }
0xc0: {  	[dreg:$0x0] =	wrdreg $0xFFFFFFFF;
	(pc) =	sbr.abs _section_cstart, $3  }
0xc1: {  	[dreg:$0x1] =	wrdreg $0xFFFFFFFF  }
0xc2: {  	_ =	task.clear_ibuf [dreg:s7], $0x2FFFF;
	_ =	strace $0x9FFFFFFF  }
0xc3: {  	(tm) =	ssettm $0x7FFFFFFF  }
tec
execute0_lowered:
.L_overlay_start_1:
0x0: {  	(tag) =	ssettag $0x1  }
0x1: {  	s6 =	rddreg [dreg:$0x0]  }
0x2: {  	s0 =	srdreg.scid;
	s2 =	rddreg [dreg:$0x1]  }
0x3: {  	s3 =	rddreg [dreg:$0x2];
	s4 =	simm.s32 $0x0;
	s14 =	simm.s32 $0x50  }
0x4: {  	s15 =	simm.s32 $0x6780;
	s16 =	simm.s32 $0x8F80;
	s17 =	simm.s32 $0x1  }
0x5: {  	s18 =	simm.s32 $0x2;
	s19 =	simm.s32 $0x3;
	s20 =	simm.s32 $0x4  }
0x6: {  	s21 =	simm.s32 $0x6480;
	s22 =	simm.s32 $0x6500;
	s23 =	simm.s32 $0x26C0  }
0x7: {  	s24 =	simm.s32 $0x6580;
	s5 =	sand.u32 $0x1, s0;
	s0 =	stileid.u32  }
0x8: {  	s25 =	simm.s32 $0x0;
	[smem:$0x7FF] =	sst s4;
	s9 =	smul.u32 $0x2800, s0  }
0x9: {  	s1 =	sshll.u32 s5, $0x4;
	s10 =	smul.u32 $0x28000, s5;
	s29 =	ssub.s32 $0x2, s5  }
0xa: {  	s11 =	smul.u32 $0x50000, s0;
	s5 =	sadd.s32 $0xBA00, s6;
	s12 =	sshll.u32 s0, $0x6  }
0xb: {  	s7 =	sor.u32 s0, s1;
	s1 =	rddreg [dreg:$0x3];
	_ =	strace $0x8000004A  }
0xc: {  	s30 =	sshrl.u32 s29, $0x1;
	s12 =	sor.u32 $0x1C05, s12;
	s8 =	smul.u32 $0x4E2, s7  }
0xd: {  	s7 =	sshll.u32 s7, $0xB;
	s9 =	sadd.s32 s9, s10;
	s10 =	ssub.s32 s29, s30  }
0xe: {  	s31 =	sshrl.u32 s11, $0x2;
	s11 =	simm.s32 $0x2780;
	s7 =	sadd.s32 s7, s6  }
0xf: {  	s9 =	sadd.s32 s9, s6;
	s13 =	sadd.s32 s31, s3;
	s8 =	sadd.s32 s8, s6  }
0x10: {  	s7 =	sadd.s32 $0x15E00, s7;
	s13 =	sshrl.u32 s13, $0x3;
	s6 =	sadd.s32 $0x1C00, s8  }
0x11: {  	s8 =	sadd.s32 $0x25E00, s9;
	s9 =	smax.u32 s10, $0x1;
	s10 =	simm.s32 $0x5  }
.LBB2_1:
0x12: {  	[tilespmem:s4], [sflag:$0x5] =	stream.linear.gather [hbm4b:s6+s4], $0x2710, $0x38;
	[tilespmem:$0x1F780] =	vst v63  }
0x13: {  	_ =	swait.ge [sflag:s10], $0x2710  }
0x14: {  	[sflag:s10] =	ssyncset.done $0x0  }
0x15: {  	[sflag:s10] =	ssyncadd.s32 $0xFFFFD8F0  }
0x16: {  	[tilespmem:s11], [sflag:$0x5] =	stream.linear.gather [hbm4b:s7+s4], $0x3E80, $0x38;
	[tilespmem:$0x1F780] =	vst v63  }
0x17: {  	_ =	swait.ge [sflag:s10], $0x3E80  }
0x18: {  	[sflag:s10] =	ssyncset.done $0x0  }
0x19: {  	[sflag:s10] =	ssyncadd.s32 $0xFFFFC180  }
0x1a: {  	[spmem:s13], [sflag:s12] =	dma.local [hbm:s5], $0x2800  }
0x1b: {  	_ =	swait.ge [sflag:s10], $0x2800  }
0x1c: {  	[sflag:s10] =	ssyncset.done $0x0  }
0x1d: {  	[sflag:s10] =	ssyncadd.s32 $0xFFFFD800  }
0x1e: {  	[bflag:$0x0] =	sbarrier.arrive $0xFFFF  }
0x1f: {  	[tilespmem:s15], [sflag:$0x1] =	stream.indirect.gather [hbm4b:s2+s14], $0x80, s4, s14, $0xb8;
	[tilespmem:$0x1F780] =	vst v63  }
0x20: {  	_ = 	snop  }
0x21: {  	[tilespmem:s16], [sflag:$0x2] =	stream.indirect.gather [hbm4b:s2+s14], $0x80, s14, s14, $0xb8;
	[tilespmem:$0x1F780] =	vst v63  }
0x22: {  	_ =	swait.ge [sflag:s17], $0x2800  }
0x23: {  	[sflag:s17] =	ssyncset.done $0x0  }
0x24: {  	s26 =	simm.s32 $0x2780;
	[sflag:s17] =	ssyncadd.s32 $0xFFFFD800  }
0x25: {  	[spmem:s3] =	stream.indirect.scatter.add.f32 [tilespmem:s15], [sflag:$0x3], $0x80, s26, s14, $0xb8;
	[tilespmem:$0x1F780] =	vst v63  }
0x26: {  	_ =	swait.ge [sflag:s18], $0x2800  }
0x27: {  	[sflag:s18] =	ssyncset.done $0x0  }
0x28: {  	s30 =	simm.s32 $0x2800;
	[sflag:s18] =	ssyncadd.s32 $0xFFFFD800  }
0x29: {  	[spmem:s3] =	stream.indirect.scatter.add.f32 [tilespmem:s16], [sflag:$0x4], $0x80, s30, s14, $0xb8;
	[tilespmem:$0x1F780] =	vst v63  }
0x2a: {  	_ =	swait.ge [sflag:s19], $0x2800  }
0x2b: {  	[sflag:s19] =	ssyncset.done $0x0  }
0x2c: {  	s31 =	simm.s32 $0xA0;
	[sflag:s19] =	ssyncadd.s32 $0xFFFFD800  }
0x2d: {  	[tilespmem:s15], [sflag:$0x1] =	stream.indirect.gather [hbm4b:s2+s14], $0x80, s31, s14, $0xb8;
	[tilespmem:$0x1F780] =	vst v63  }
0x2e: {  	_ =	swait.ge [sflag:s20], $0x2800  }
0x2f: {  	s28 =	simm.s32 $0x400;
	[sflag:s20] =	ssyncset.done $0x0  }
0x30: {  	s29 =	simm.s32 $0x190;
	s26 =	simm.s32 $0xF0;
	[sflag:s20] =	ssyncadd.s32 $0xFFFFD800  }
.LBB2_2:
0x31: {  	[tilespmem:s16], [sflag:$0x2] =	stream.indirect.gather [hbm4b:s2+s14], $0x80, s26, s14, $0xb8;
	[tilespmem:$0x1F780] =	vst v63  }
0x32: {  	s30 =	smov.u32 s28;
	s26 =	smov.u32 s29  }
0x33: {  	p0 =	sne.s32 s28, $0xF000;
	s28 =	sadd.s32 $0x400, s28;
	_ =	swait.ge [sflag:s17], $0x2800  }
0x34: {  	s30 =	sshra.s32 s30, $0x2;
	[sflag:s17] =	ssyncset.done $0x0  }
0x35: {  	s31 =	sadd.s32 $0x2780, s30;
	[sflag:s17] =	ssyncadd.s32 $0xFFFFD800  }
0x36: {  	[spmem:s3] =	stream.indirect.scatter.add.f32 [tilespmem:s15], [sflag:$0x3], $0x80, s31, s14, $0xb8;
	[tilespmem:$0x1F780] =	vst v63  }
0x37: {  	_ =	swait.ge [sflag:s18], $0x2800  }
0x38: {  	[sflag:s18] =	ssyncset.done $0x0  }
0x39: {  	s30 =	sadd.s32 $0x2800, s30;
	[sflag:s18] =	ssyncadd.s32 $0xFFFFD800  }
0x3a: {  	[spmem:s3] =	stream.indirect.scatter.add.f32 [tilespmem:s16], [sflag:$0x4], $0x80, s30, s14, $0xb8;
	[tilespmem:$0x1F780] =	vst v63  }
0x3b: {  	_ =	swait.ge [sflag:s19], $0x2800  }
0x3c: {  	[sflag:s19] =	ssyncset.done $0x0  }
.Ltmp0:
0x3d: {  	s30 =	sadd.s32 $0xFFFFFFB0, s29;
	[sflag:s19] =	ssyncadd.s32 $0xFFFFD800;
	(pc) =	sbr.rel @p0 .LBB2_2-.Ltmp0, $4  }
0x3e: {  	[tilespmem:s15], [sflag:$0x1] =	stream.indirect.gather [hbm4b:s2+s14], $0x80, s30, s14, $0xb8;
	[tilespmem:$0x1F780] =	vst v63  }
0x3f: {  	_ =	swait.ge [sflag:s20], $0x2800  }
0x40: {  	[sflag:s20] =	ssyncset.done $0x0  }
0x41: {  	s29 =	sadd.s32 $0xA0, s29;
	[sflag:s20] =	ssyncadd.s32 $0xFFFFD800  }
0x42: {  	[tilespmem:s16], [sflag:$0x2] =	stream.indirect.gather [hbm4b:s2+s14], $0x80, s26, s14, $0xb8;
	[tilespmem:$0x1F780] =	vst v63  }
0x43: {  	_ =	swait.ge [sflag:s17], $0x2800  }
0x44: {  	[sflag:s17] =	ssyncset.done $0x0  }
0x45: {  	[sflag:s17] =	ssyncadd.s32 $0xFFFFD800  }
0x46: {  	[spmem:s3] =	stream.indirect.scatter.add.f32 [tilespmem:s15], [sflag:$0x3], $0x80, s21, s14, $0xb8;
	[tilespmem:$0x1F780] =	vst v63  }
0x47: {  	_ =	swait.ge [sflag:s18], $0x2800  }
0x48: {  	[sflag:s18] =	ssyncset.done $0x0  }
0x49: {  	[sflag:s18] =	ssyncadd.s32 $0xFFFFD800  }
0x4a: {  	[spmem:s3] =	stream.indirect.scatter.add.f32 [tilespmem:s16], [sflag:$0x4], $0x80, s22, s14, $0xb8;
	[tilespmem:$0x1F780] =	vst v63  }
0x4b: {  	_ =	swait.ge [sflag:s19], $0x2800  }
0x4c: {  	[sflag:s19] =	ssyncset.done $0x0  }
0x4d: {  	[sflag:s19] =	ssyncadd.s32 $0xFFFFD800  }
0x4e: {  	[tilespmem:s15], [sflag:$0x1] =	stream.indirect.gather [hbm4b:s2+s14], $0x80, s23, s14, $0xb8;
	[tilespmem:$0x1F780] =	vst v63  }
0x4f: {  	_ =	swait.ge [sflag:s20], $0x2800  }
0x50: {  	[sflag:s20] =	ssyncset.done $0x0  }
0x51: {  	[sflag:s20] =	ssyncadd.s32 $0xFFFFD800  }
0x52: {  	_ =	swait.ge [sflag:s17], $0x2800  }
0x53: {  	[sflag:s17] =	ssyncset.done $0x0  }
0x54: {  	[sflag:s17] =	ssyncadd.s32 $0xFFFFD800  }
0x55: {  	[spmem:s3] =	stream.indirect.scatter.add.f32 [tilespmem:s15], [sflag:$0x5], $0x80, s24, s14, $0xb8;
	[tilespmem:$0x1F780] =	vst v63  }
0x56: {  	_ =	swait.ge [sflag:s10], $0x2800  }
0x57: {  	s25 =	sadd.s32 $0x1, s25;
	[sflag:s10] =	ssyncset.done $0x0  }
0x58: {  	p0 =	sne.s32 s25, s9;
	[sflag:s10] =	ssyncadd.s32 $0xFFFFD800  }
.Ltmp1:
0x59: {  	[bflag:$0x0] =	sbarrier.arrive $0xFFFF;
	(pc) =	sbr.rel @p0 .LBB2_1-.Ltmp1, $4  }
0x5a: {  	[hbm:s8], [sflag:s12] =	dma.local [spmem:s13], $0x2800  }
0x5b: {  	_ =	swait.ge [sflag:s10], $0x2800  }
0x5c: {  	[sflag:s10] =	ssyncset.done $0x0  }
0x5d: {  	[sflag:s10] =	ssyncadd.s32 $0xFFFFD800  }
0x5e: {  	_ =	sfence.sel $0x180000  }
0x5f: {  	[bflag:$0x0] =	sbarrier.arrive $0xFFFF  }
0x60: {  	p0 =	sne.s32 s0, $0x0;
	_ =	strace $0x9000004A  }
0x61: {  	s0 =	sadd.s32 @!p0 $0x100000, s1;
	[bflag:$0x2] =	sbarrier.arrive $0xFFFF  }
0x62: {  	[sflag:s0] =	ssyncadd.tile.s32 @!p0 $0x1;
	_ =	shalt  }
.Lfunc_end2:
_tile_overlayer_lowered:
.L_overlay_start_2:
0x63: {  	(tag) =	ssettag $0x2  }
0x64: {  	s0 =	rddreg [dreg:$0x0];
	s2 =	stileid.u32  }
0x65: {  	s1 =	rddreg [dreg:$0x1];
	p0 =	sne.s32 s2, $0x0  }
0x66: {  	s3 =	rddreg [dreg:$0x2];
	[bflag:$0x3] =	sbarrier.arrive $0xFFFF;
	s2 =	simm.s32 @!p0 $0x1C05  }
0x67: {  	[timem:s3], [sflag:s2] =	dma.local @!p0 [hbm:s0], s1  }
0x68: {  	s0 =	simm.s32 @!p0 $0x5  }
0x69: {  	_ =	swait.ge @!p0 [sflag:s0], s1  }
0x6a: {  	s1 =	ssub.s32 @!p0 $0x0, s1;
	[sflag:s0] =	ssyncset.done @!p0 $0x0  }
0x6b: {  	[sflag:s0] =	ssyncadd.s32 @!p0 s1  }
0x6c: {  	[bflag:$0x3] =	sbarrier.arrive $0xFFFF  }
0x6d: {  	_ =	shalt  }

</sc_bundles>
